<compile_context>
chip_gen: v7x
topology: tpu7x:2x2x1
jax: 0.10.2.dev20260603
libtpu: 0.0.44.dev20260713+nightly
codegen_flags: <defaults>
</compile_context>

<pallas_src>
import functools

import jax
import jax.numpy as jnp
from jax import lax
from jax.experimental import pallas as pl
from jax.experimental.pallas import tpu as pltpu
from jax.experimental.pallas import tpu_sc as plsc

_D = 512
_B = 4096
_L = 77
_LP = 80
_NC = 2
_NS = 16
_NW = _NC * _NS
_BPW = _B // _NW
_CH = _D // 16


def _sums_sc(ids, maskx, table):
    mesh = plsc.VectorSubcoreMesh(core_axis_name="c", subcore_axis_name="s")

    @functools.partial(
        pl.kernel,
        mesh=mesh,
        out_type=jax.ShapeDtypeStruct((_B, _D), jnp.float32),
        scratch_types=[
            pltpu.VMEM((_LP,), jnp.int32),
            pltpu.VMEM((_LP,), jnp.int32),
            pltpu.VMEM((_LP, 16), jnp.float32),
            pltpu.VMEM((_LP, 16), jnp.float32),
            pltpu.VMEM((_LP, _D), jnp.float32),
            pltpu.VMEM((_LP, _D), jnp.float32),
            pltpu.VMEM((_D,), jnp.float32),
            pltpu.SemaphoreType.DMA,
            pltpu.SemaphoreType.DMA,
        ],
    )
    def k(ids_hbm, maskx_hbm, table_hbm, out_hbm, idx_a, idx_b, wexp_a,
          wexp_b, rows_a, rows_b, acc_v, sem_a, sem_b):
        wid = lax.axis_index("s") * _NC + lax.axis_index("c")
        base = wid * _BPW

        def issue(row, idx_v, wexp_v, rows_v, sem):
            pltpu.sync_copy(ids_hbm.at[row], idx_v)
            pltpu.sync_copy(maskx_hbm.at[row], wexp_v)
            return pltpu.async_copy(table_hbm.at[idx_v], rows_v, sem)

        def consume(row, idx_v, wexp_v, rows_v, sem):
            pltpu.make_async_copy(table_hbm.at[idx_v], rows_v, sem).wait()

            def lbody(l, accs):
                w = wexp_v[l, :]
                return tuple(
                    accs[c] + rows_v[l, pl.ds(c * 16, 16)] * w
                    for c in range(_CH))

            init = tuple(jnp.zeros((16,), jnp.float32) for _ in range(_CH))
            accs = lax.fori_loop(0, _LP, lbody, init)
            for c in range(_CH):
                acc_v[pl.ds(c * 16, 16)] = accs[c]
            pltpu.sync_copy(acc_v, out_hbm.at[row])

        issue(base, idx_a, wexp_a, rows_a, sem_a)

        def body(i2, carry):
            row_a = base + 2 * i2
            row_b = row_a + 1
            issue(row_b, idx_b, wexp_b, rows_b, sem_b)
            consume(row_a, idx_a, wexp_a, rows_a, sem_a)
            row_n = jnp.minimum(row_a + 2, jnp.int32(_B - 1))
            issue(row_n, idx_a, wexp_a, rows_a, sem_a)
            consume(row_b, idx_b, wexp_b, rows_b, sem_b)
            return carry

        lax.fori_loop(0, _BPW // 2, body, jnp.int32(0))
        pltpu.make_async_copy(table_hbm.at[idx_a], rows_a, sem_a).wait()

    return k(ids, maskx, table)


def _mm_body(s_ref, m_ref, w_ref, b_ref, o_ref):
    cnt = jnp.sum(m_ref[...].astype(jnp.float32), axis=1, keepdims=True)
    pooled = s_ref[...] / jnp.maximum(cnt, jnp.float32(1e-9))
    o_ref[...] = (
        lax.dot_general(pooled, w_ref[...],
                        (((1,), (1,)), ((), ())),
                        preferred_element_type=jnp.float32)
        + b_ref[0:1, :]
    )


def _project_tc(sums, mask_p, W, b):
    tb = 512
    b2 = jnp.tile(b[None, :], (8, 1))
    return pl.pallas_call(
        _mm_body,
        grid=(_B // tb,),
        in_specs=[
            pl.BlockSpec((tb, _D), lambda i: (i, 0)),
            pl.BlockSpec((tb, _LP), lambda i: (i, 0)),
            pl.BlockSpec((_D, _D), lambda i: (0, 0)),
            pl.BlockSpec((8, _D), lambda i: (0, 0)),
        ],
        out_specs=pl.BlockSpec((tb, _D), lambda i: (i, 0)),
        out_shape=jax.ShapeDtypeStruct((_B, _D), jnp.float32),
    )(sums, mask_p, W, b2)


def kernel(input_ids, attention_mask, emb_table, W, b):
    ids_p = jnp.pad(input_ids, ((0, 0), (0, _LP - _L)))
    mask_p = jnp.pad(attention_mask, ((0, 0), (0, _LP - _L)))
    maskx = jnp.broadcast_to(
        mask_p.astype(jnp.float32)[:, :, None], (_B, _LP, 16))
    sums = _sums_sc(ids_p, maskx, emb_table)
    out = _project_tc(sums, mask_p, W, b)
    return out[:, None, :]

# --- scband reference (transcript-rebuilt; emitter-appended) ---
"""Pipeline reference for scband-qwen-language-encoder-lite-64716567216764 (READ-ONLY COPY).

The authoritative reference and input builder live on the scoring server;
editing this copy changes nothing except your own understanding.
"""

import jax, jax.numpy as jnp
import numpy as np

VOCAB = 151936
EMBED_DIM = 512
B = 4096
L = 77

def setup_inputs(seed: int = 0) -> dict:
    key = jax.random.key(seed)
    k1, k2, k3, k4, k5 = jax.random.split(key, 5)
    input_ids = jax.random.randint(k1, (B, L), 0, VOCAB, dtype=jnp.int64 if jax.config.jax_enable_x64 else jnp.int32).astype(jnp.int32)
    attention_mask = jax.random.randint(k2, (B, L), 0, 2, dtype=jnp.int32)
    emb_table = jax.random.normal(k3, (VOCAB, EMBED_DIM), dtype=jnp.float32)
    W = jax.random.normal(k4, (EMBED_DIM, EMBED_DIM), dtype=jnp.float32) * 0.02
    b = jax.random.normal(k5, (EMBED_DIM,), dtype=jnp.float32) * 0.02
    return {"input_ids": input_ids, "attention_mask": attention_mask, "emb_table": emb_table, "W": W, "b": b}

def reference(input_ids, attention_mask, emb_table, W, b):
    # Embedding lookup: [B, L, D]
    embeddings = jnp.take(emb_table, input_ids, axis=0)
    # Masked mean pooling over sequence dim
    mask_expanded = attention_mask[:, :, None].astype(jnp.float32)
    sum_embeddings = jnp.sum(embeddings * mask_expanded, axis=1)
    sum_mask = jnp.clip(jnp.sum(mask_expanded, axis=1), 1e-09, None)
    pooled = sum_embeddings / sum_mask
    # Linear projection (torch nn.Linear: x @ W.T + b)
    output = pooled @ W.T + b
    return output[:, None, :]

if __name__ == "__main__":
    import jax
    _d = setup_inputs()
    print(jax.jit(kernel)(*tuple(_d.values())))

</pallas_src>

<mosaic_0001>
#map = affine_map<(d0, d1) -> (0, 0)>
#map1 = affine_map<(d0, d1) -> (0, 0, 0)>
module attributes {stable_mosaic.version = 14 : i64} {
  func.func @k(%arg0: i32, %arg1: i32, %arg2: memref<4096x80xi32, #tpu.memory_space<hbm>>, %arg3: memref<4096x80x16xf32, #tpu.memory_space<hbm>>, %arg4: memref<151936x512xf32, #tpu.memory_space<hbm>>, %arg5: memref<4096x512xf32, #tpu.memory_space<hbm>>, %arg6: memref<80xi32, #tpu.memory_space<vmem>>, %arg7: memref<80xi32, #tpu.memory_space<vmem>>, %arg8: memref<80x16xf32, #tpu.memory_space<vmem>>, %arg9: memref<80x16xf32, #tpu.memory_space<vmem>>, %arg10: memref<80x512xf32, #tpu.memory_space<vmem>>, %arg11: memref<80x512xf32, #tpu.memory_space<vmem>>, %arg12: memref<512xf32, #tpu.memory_space<vmem>>, %arg13: memref<!tpu.dma_semaphore, #tpu.memory_space<semaphore_mem>>, %arg14: memref<!tpu.dma_semaphore, #tpu.memory_space<semaphore_mem>>) attributes {dimension_semantics = [#tpu.dimension_semantics<core_parallel>, #tpu.dimension_semantics<subcore_parallel>], iteration_bounds = array<i64: 2, 16>, scalar_prefetch = 0 : i64, scratch_operands = 9 : i64, tpu.core_type = #tpu.core_type<sc_vector_subcore>, window_params = [{transform_indices = #map}, {transform_indices = #map1}, {transform_indices = #map}, {transform_indices = #map}]} {
    %mul3A = arith.constant 2 : i32
    %mul3A_0 = arith.muli %arg1, %mul3A : i32
    %add3A = arith.addi %mul3A_0, %arg0 : i32
    %mul3A_1 = arith.constant 128 : i32
    %mul3A_2 = arith.muli %add3A, %mul3A_1 : i32
    "tpu.region"() ({
      %run_scoped3A = tpu.sem_alloc : memref<!tpu.dma_semaphore, #tpu.memory_space<semaphore_mem>>
      %dma_start3A_12 = arith.constant 0 : i32
      %dma_start3A_13 = tpu.memref_slice %arg2[%mul3A_2, %dma_start3A_12] : memref<4096x80xi32, #tpu.memory_space<hbm>> -> memref<1x80xi32, #tpu.memory_space<hbm>>
      %dma_start3A_14 = tpu.memref_squeeze %dma_start3A_13 : memref<1x80xi32, #tpu.memory_space<hbm>> -> memref<80xi32, #tpu.memory_space<hbm>>
      %dma_start3A_15 = arith.constant 0 : i32
      %dma_start3A_16 = tpu.memref_slice %arg2[%mul3A_2, %dma_start3A_15] : memref<4096x80xi32, #tpu.memory_space<hbm>> -> memref<1x80xi32, #tpu.memory_space<hbm>>
      %dma_start3A_17 = tpu.memref_squeeze %dma_start3A_16 : memref<1x80xi32, #tpu.memory_space<hbm>> -> memref<80xi32, #tpu.memory_space<hbm>>
      tpu.enqueue_dma source(%dma_start3A_17 : memref<80xi32, #tpu.memory_space<hbm>>) target(%arg6 : memref<80xi32, #tpu.memory_space<vmem>>) target_semaphore(%run_scoped3A : memref<!tpu.dma_semaphore, #tpu.memory_space<semaphore_mem>>)
      %dma_wait3A_18 = arith.constant 0 : i32
      %dma_wait3A_19 = tpu.memref_slice %arg2[%mul3A_2, %dma_wait3A_18] : memref<4096x80xi32, #tpu.memory_space<hbm>> -> memref<1x80xi32, #tpu.memory_space<hbm>>
      %dma_wait3A_20 = tpu.memref_squeeze %dma_wait3A_19 : memref<1x80xi32, #tpu.memory_space<hbm>> -> memref<80xi32, #tpu.memory_space<hbm>>
      %dma_wait3A_21 = arith.constant 0 : i32
      %dma_wait3A_22 = tpu.memref_slice %arg2[%mul3A_2, %dma_wait3A_21] : memref<4096x80xi32, #tpu.memory_space<hbm>> -> memref<1x80xi32, #tpu.memory_space<hbm>>
      %dma_wait3A_23 = tpu.memref_squeeze %dma_wait3A_22 : memref<1x80xi32, #tpu.memory_space<hbm>> -> memref<80xi32, #tpu.memory_space<hbm>>
      tpu.wait_dma2 semaphore(%run_scoped3A : memref<!tpu.dma_semaphore, #tpu.memory_space<semaphore_mem>>) src(%dma_wait3A_23 : memref<80xi32, #tpu.memory_space<hbm>>) dst(%arg6 : memref<80xi32, #tpu.memory_space<vmem>>)
      tpu.yield
    }) : () -> ()
    "tpu.region"() ({
      %run_scoped3A = tpu.sem_alloc : memref<!tpu.dma_semaphore, #tpu.memory_space<semaphore_mem>>
      %dma_start3A_12 = arith.constant 0 : i32
      %dma_start3A_13 = arith.constant 0 : i32
      %dma_start3A_14 = tpu.memref_slice %arg3[%mul3A_2, %dma_start3A_12, %dma_start3A_13] : memref<4096x80x16xf32, #tpu.memory_space<hbm>> -> memref<1x80x16xf32, #tpu.memory_space<hbm>>
      %dma_start3A_15 = tpu.memref_squeeze %dma_start3A_14 : memref<1x80x16xf32, #tpu.memory_space<hbm>> -> memref<80x16xf32, #tpu.memory_space<hbm>>
      %dma_start3A_16 = arith.constant 0 : i32
      %dma_start3A_17 = arith.constant 0 : i32
      %dma_start3A_18 = tpu.memref_slice %arg3[%mul3A_2, %dma_start3A_16, %dma_start3A_17] : memref<4096x80x16xf32, #tpu.memory_space<hbm>> -> memref<1x80x16xf32, #tpu.memory_space<hbm>>
      %dma_start3A_19 = tpu.memref_squeeze %dma_start3A_18 : memref<1x80x16xf32, #tpu.memory_space<hbm>> -> memref<80x16xf32, #tpu.memory_space<hbm>>
      tpu.enqueue_dma source(%dma_start3A_19 : memref<80x16xf32, #tpu.memory_space<hbm>>) target(%arg8 : memref<80x16xf32, #tpu.memory_space<vmem>>) target_semaphore(%run_scoped3A : memref<!tpu.dma_semaphore, #tpu.memory_space<semaphore_mem>>)
      %dma_wait3A_20 = arith.constant 0 : i32
      %dma_wait3A_21 = arith.constant 0 : i32
      %dma_wait3A_22 = tpu.memref_slice %arg3[%mul3A_2, %dma_wait3A_20, %dma_wait3A_21] : memref<4096x80x16xf32, #tpu.memory_space<hbm>> -> memref<1x80x16xf32, #tpu.memory_space<hbm>>
      %dma_wait3A_23 = tpu.memref_squeeze %dma_wait3A_22 : memref<1x80x16xf32, #tpu.memory_space<hbm>> -> memref<80x16xf32, #tpu.memory_space<hbm>>
      %dma_wait3A_24 = arith.constant 0 : i32
      %dma_wait3A_25 = arith.constant 0 : i32
      %dma_wait3A_26 = tpu.memref_slice %arg3[%mul3A_2, %dma_wait3A_24, %dma_wait3A_25] : memref<4096x80x16xf32, #tpu.memory_space<hbm>> -> memref<1x80x16xf32, #tpu.memory_space<hbm>>
      %dma_wait3A_27 = tpu.memref_squeeze %dma_wait3A_26 : memref<1x80x16xf32, #tpu.memory_space<hbm>> -> memref<80x16xf32, #tpu.memory_space<hbm>>
      tpu.wait_dma2 semaphore(%run_scoped3A : memref<!tpu.dma_semaphore, #tpu.memory_space<semaphore_mem>>) src(%dma_wait3A_27 : memref<80x16xf32, #tpu.memory_space<hbm>>) dst(%arg8 : memref<80x16xf32, #tpu.memory_space<vmem>>)
      tpu.yield
    }) : () -> ()
    %dma_start3A = arith.constant 0 : i32
    %dma_start3A_3 = arith.constant 0 : i32
    %dma_start3A_4 = tpu.memref_slice %arg4[%dma_start3A, %dma_start3A_3] : memref<151936x512xf32, #tpu.memory_space<hbm>> -> memref<151936x512xf32, #tpu.memory_space<hbm>>
    tpu.enqueue_indirect_dma source(%dma_start3A_4 : memref<151936x512xf32, #tpu.memory_space<hbm>>) target(%arg10 : memref<80x512xf32, #tpu.memory_space<vmem>>) offsets(%arg6 : memref<80xi32, #tpu.memory_space<vmem>>) semaphore(%arg13 : memref<!tpu.dma_semaphore, #tpu.memory_space<semaphore_mem>>)
    %scan3A = arith.constant 0 : i32
    %scan3A_5 = arith.constant 0 : i32
    %scan3A_6 = arith.constant 64 : i32
    %scan3A_7 = arith.addi %scan3A_5, %scan3A_6 : i32
    %scan3A_8 = arith.constant 1 : i32
    scf.for %scan3A_12 = %scan3A_5 to %scan3A_7 step %scan3A_8  : i32 {
      %mul3A_13 = arith.constant 2 : i32
      %mul3A_14 = arith.muli %mul3A_13, %scan3A_12 : i32
      %add3A_15 = arith.addi %mul3A_2, %mul3A_14 : i32
      %add3A_16 = arith.constant 1 : i32
      %add3A_17 = arith.addi %add3A_15, %add3A_16 : i32
      "tpu.region"() ({
        %run_scoped3A = tpu.sem_alloc : memref<!tpu.dma_semaphore, #tpu.memory_space<semaphore_mem>>
        %dma_start3A_427 = arith.constant 0 : i32
        %dma_start3A_428 = tpu.memref_slice %arg2[%add3A_17, %dma_start3A_427] : memref<4096x80xi32, #tpu.memory_space<hbm>> -> memref<1x80xi32, #tpu.memory_space<hbm>>
        %dma_start3A_429 = tpu.memref_squeeze %dma_start3A_428 : memref<1x80xi32, #tpu.memory_space<hbm>> -> memref<80xi32, #tpu.memory_space<hbm>>
        %dma_start3A_430 = arith.constant 0 : i32
        %dma_start3A_431 = tpu.memref_slice %arg2[%add3A_17, %dma_start3A_430] : memref<4096x80xi32, #tpu.memory_space<hbm>> -> memref<1x80xi32, #tpu.memory_space<hbm>>
        %dma_start3A_432 = tpu.memref_squeeze %dma_start3A_431 : memref<1x80xi32, #tpu.memory_space<hbm>> -> memref<80xi32, #tpu.memory_space<hbm>>
        tpu.enqueue_dma source(%dma_start3A_432 : memref<80xi32, #tpu.memory_space<hbm>>) target(%arg7 : memref<80xi32, #tpu.memory_space<vmem>>) target_semaphore(%run_scoped3A : memref<!tpu.dma_semaphore, #tpu.memory_space<semaphore_mem>>)
        %dma_wait3A_433 = arith.constant 0 : i32
        %dma_wait3A_434 = tpu.memref_slice %arg2[%add3A_17, %dma_wait3A_433] : memref<4096x80xi32, #tpu.memory_space<hbm>> -> memref<1x80xi32, #tpu.memory_space<hbm>>
        %dma_wait3A_435 = tpu.memref_squeeze %dma_wait3A_434 : memref<1x80xi32, #tpu.memory_space<hbm>> -> memref<80xi32, #tpu.memory_space<hbm>>
        %dma_wait3A_436 = arith.constant 0 : i32
        %dma_wait3A_437 = tpu.memref_slice %arg2[%add3A_17, %dma_wait3A_436] : memref<4096x80xi32, #tpu.memory_space<hbm>> -> memref<1x80xi32, #tpu.memory_space<hbm>>
        %dma_wait3A_438 = tpu.memref_squeeze %dma_wait3A_437 : memref<1x80xi32, #tpu.memory_space<hbm>> -> memref<80xi32, #tpu.memory_space<hbm>>
        tpu.wait_dma2 semaphore(%run_scoped3A : memref<!tpu.dma_semaphore, #tpu.memory_space<semaphore_mem>>) src(%dma_wait3A_438 : memref<80xi32, #tpu.memory_space<hbm>>) dst(%arg7 : memref<80xi32, #tpu.memory_space<vmem>>)
        tpu.yield
      }) : () -> ()
      "tpu.region"() ({
        %run_scoped3A = tpu.sem_alloc : memref<!tpu.dma_semaphore, #tpu.memory_space<semaphore_mem>>
        %dma_start3A_427 = arith.constant 0 : i32
        %dma_start3A_428 = arith.constant 0 : i32
        %dma_start3A_429 = tpu.memref_slice %arg3[%add3A_17, %dma_start3A_427, %dma_start3A_428] : memref<4096x80x16xf32, #tpu.memory_space<hbm>> -> memref<1x80x16xf32, #tpu.memory_space<hbm>>
        %dma_start3A_430 = tpu.memref_squeeze %dma_start3A_429 : memref<1x80x16xf32, #tpu.memory_space<hbm>> -> memref<80x16xf32, #tpu.memory_space<hbm>>
        %dma_start3A_431 = arith.constant 0 : i32
        %dma_start3A_432 = arith.constant 0 : i32
        %dma_start3A_433 = tpu.memref_slice %arg3[%add3A_17, %dma_start3A_431, %dma_start3A_432] : memref<4096x80x16xf32, #tpu.memory_space<hbm>> -> memref<1x80x16xf32, #tpu.memory_space<hbm>>
        %dma_start3A_434 = tpu.memref_squeeze %dma_start3A_433 : memref<1x80x16xf32, #tpu.memory_space<hbm>> -> memref<80x16xf32, #tpu.memory_space<hbm>>
        tpu.enqueue_dma source(%dma_start3A_434 : memref<80x16xf32, #tpu.memory_space<hbm>>) target(%arg9 : memref<80x16xf32, #tpu.memory_space<vmem>>) target_semaphore(%run_scoped3A : memref<!tpu.dma_semaphore, #tpu.memory_space<semaphore_mem>>)
        %dma_wait3A_435 = arith.constant 0 : i32
        %dma_wait3A_436 = arith.constant 0 : i32
        %dma_wait3A_437 = tpu.memref_slice %arg3[%add3A_17, %dma_wait3A_435, %dma_wait3A_436] : memref<4096x80x16xf32, #tpu.memory_space<hbm>> -> memref<1x80x16xf32, #tpu.memory_space<hbm>>
        %dma_wait3A_438 = tpu.memref_squeeze %dma_wait3A_437 : memref<1x80x16xf32, #tpu.memory_space<hbm>> -> memref<80x16xf32, #tpu.memory_space<hbm>>
        %dma_wait3A_439 = arith.constant 0 : i32
        %dma_wait3A_440 = arith.constant 0 : i32
        %dma_wait3A_441 = tpu.memref_slice %arg3[%add3A_17, %dma_wait3A_439, %dma_wait3A_440] : memref<4096x80x16xf32, #tpu.memory_space<hbm>> -> memref<1x80x16xf32, #tpu.memory_space<hbm>>
        %dma_wait3A_442 = tpu.memref_squeeze %dma_wait3A_441 : memref<1x80x16xf32, #tpu.memory_space<hbm>> -> memref<80x16xf32, #tpu.memory_space<hbm>>
        tpu.wait_dma2 semaphore(%run_scoped3A : memref<!tpu.dma_semaphore, #tpu.memory_space<semaphore_mem>>) src(%dma_wait3A_442 : memref<80x16xf32, #tpu.memory_space<hbm>>) dst(%arg9 : memref<80x16xf32, #tpu.memory_space<vmem>>)
        tpu.yield
      }) : () -> ()
      %dma_start3A_18 = arith.constant 0 : i32
      %dma_start3A_19 = arith.constant 0 : i32
      %dma_start3A_20 = tpu.memref_slice %arg4[%dma_start3A_18, %dma_start3A_19] : memref<151936x512xf32, #tpu.memory_space<hbm>> -> memref<151936x512xf32, #tpu.memory_space<hbm>>
      tpu.enqueue_indirect_dma source(%dma_start3A_20 : memref<151936x512xf32, #tpu.memory_space<hbm>>) target(%arg11 : memref<80x512xf32, #tpu.memory_space<vmem>>) offsets(%arg7 : memref<80xi32, #tpu.memory_space<vmem>>) semaphore(%arg14 : memref<!tpu.dma_semaphore, #tpu.memory_space<semaphore_mem>>)
      %dma_wait3A_21 = arith.constant 0 : i32
      %dma_wait3A_22 = arith.constant 0 : i32
      %dma_wait3A_23 = tpu.memref_slice %arg4[%dma_wait3A_21, %dma_wait3A_22] : memref<151936x512xf32, #tpu.memory_space<hbm>> -> memref<151936x512xf32, #tpu.memory_space<hbm>>
      tpu.wait_indirect_dma semaphore(%arg13 : memref<!tpu.dma_semaphore, #tpu.memory_space<semaphore_mem>>) src(%dma_wait3A_23 : memref<151936x512xf32, #tpu.memory_space<hbm>>) dst(%arg10 : memref<80x512xf32, #tpu.memory_space<vmem>>)
      %broadcast_in_dim3A = arith.constant 0.000000e+00 : f32
      %broadcast_in_dim3A_24 = vector.broadcast %broadcast_in_dim3A : f32 to vector<16xf32>
      %broadcast_in_dim3A_25 = arith.constant 0.000000e+00 : f32
      %broadcast_in_dim3A_26 = vector.broadcast %broadcast_in_dim3A_25 : f32 to vector<16xf32>
      %broadcast_in_dim3A_27 = arith.constant 0.000000e+00 : f32
      %broadcast_in_dim3A_28 = vector.broadcast %broadcast_in_dim3A_27 : f32 to vector<16xf32>
      %broadcast_in_dim3A_29 = arith.constant 0.000000e+00 : f32
      %broadcast_in_dim3A_30 = vector.broadcast %broadcast_in_dim3A_29 : f32 to vector<16xf32>
      %broadcast_in_dim3A_31 = arith.constant 0.000000e+00 : f32
      %broadcast_in_dim3A_32 = vector.broadcast %broadcast_in_dim3A_31 : f32 to vector<16xf32>
      %broadcast_in_dim3A_33 = arith.constant 0.000000e+00 : f32
      %broadcast_in_dim3A_34 = vector.broadcast %broadcast_in_dim3A_33 : f32 to vector<16xf32>
      %broadcast_in_dim3A_35 = arith.constant 0.000000e+00 : f32
      %broadcast_in_dim3A_36 = vector.broadcast %broadcast_in_dim3A_35 : f32 to vector<16xf32>
      %broadcast_in_dim3A_37 = arith.constant 0.000000e+00 : f32
      %broadcast_in_dim3A_38 = vector.broadcast %broadcast_in_dim3A_37 : f32 to vector<16xf32>
      %broadcast_in_dim3A_39 = arith.constant 0.000000e+00 : f32
      %broadcast_in_dim3A_40 = vector.broadcast %broadcast_in_dim3A_39 : f32 to vector<16xf32>
      %broadcast_in_dim3A_41 = arith.constant 0.000000e+00 : f32
      %broadcast_in_dim3A_42 = vector.broadcast %broadcast_in_dim3A_41 : f32 to vector<16xf32>
      %broadcast_in_dim3A_43 = arith.constant 0.000000e+00 : f32
      %broadcast_in_dim3A_44 = vector.broadcast %broadcast_in_dim3A_43 : f32 to vector<16xf32>
      %broadcast_in_dim3A_45 = arith.constant 0.000000e+00 : f32
      %broadcast_in_dim3A_46 = vector.broadcast %broadcast_in_dim3A_45 : f32 to vector<16xf32>
      %broadcast_in_dim3A_47 = arith.constant 0.000000e+00 : f32
      %broadcast_in_dim3A_48 = vector.broadcast %broadcast_in_dim3A_47 : f32 to vector<16xf32>
      %broadcast_in_dim3A_49 = arith.constant 0.000000e+00 : f32
      %broadcast_in_dim3A_50 = vector.broadcast %broadcast_in_dim3A_49 : f32 to vector<16xf32>
      %broadcast_in_dim3A_51 = arith.constant 0.000000e+00 : f32
      %broadcast_in_dim3A_52 = vector.broadcast %broadcast_in_dim3A_51 : f32 to vector<16xf32>
      %broadcast_in_dim3A_53 = arith.constant 0.000000e+00 : f32
      %broadcast_in_dim3A_54 = vector.broadcast %broadcast_in_dim3A_53 : f32 to vector<16xf32>
      %broadcast_in_dim3A_55 = arith.constant 0.000000e+00 : f32
      %broadcast_in_dim3A_56 = vector.broadcast %broadcast_in_dim3A_55 : f32 to vector<16xf32>
      %broadcast_in_dim3A_57 = arith.constant 0.000000e+00 : f32
      %broadcast_in_dim3A_58 = vector.broadcast %broadcast_in_dim3A_57 : f32 to vector<16xf32>
      %broadcast_in_dim3A_59 = arith.constant 0.000000e+00 : f32
      %broadcast_in_dim3A_60 = vector.broadcast %broadcast_in_dim3A_59 : f32 to vector<16xf32>
      %broadcast_in_dim3A_61 = arith.constant 0.000000e+00 : f32
      %broadcast_in_dim3A_62 = vector.broadcast %broadcast_in_dim3A_61 : f32 to vector<16xf32>
      %broadcast_in_dim3A_63 = arith.constant 0.000000e+00 : f32
      %broadcast_in_dim3A_64 = vector.broadcast %broadcast_in_dim3A_63 : f32 to vector<16xf32>
      %broadcast_in_dim3A_65 = arith.constant 0.000000e+00 : f32
      %broadcast_in_dim3A_66 = vector.broadcast %broadcast_in_dim3A_65 : f32 to vector<16xf32>
      %broadcast_in_dim3A_67 = arith.constant 0.000000e+00 : f32
      %broadcast_in_dim3A_68 = vector.broadcast %broadcast_in_dim3A_67 : f32 to vector<16xf32>
      %broadcast_in_dim3A_69 = arith.constant 0.000000e+00 : f32
      %broadcast_in_dim3A_70 = vector.broadcast %broadcast_in_dim3A_69 : f32 to vector<16xf32>
      %broadcast_in_dim3A_71 = arith.constant 0.000000e+00 : f32
      %broadcast_in_dim3A_72 = vector.broadcast %broadcast_in_dim3A_71 : f32 to vector<16xf32>
      %broadcast_in_dim3A_73 = arith.constant 0.000000e+00 : f32
      %broadcast_in_dim3A_74 = vector.broadcast %broadcast_in_dim3A_73 : f32 to vector<16xf32>
      %broadcast_in_dim3A_75 = arith.constant 0.000000e+00 : f32
      %broadcast_in_dim3A_76 = vector.broadcast %broadcast_in_dim3A_75 : f32 to vector<16xf32>
      %broadcast_in_dim3A_77 = arith.constant 0.000000e+00 : f32
      %broadcast_in_dim3A_78 = vector.broadcast %broadcast_in_dim3A_77 : f32 to vector<16xf32>
      %broadcast_in_dim3A_79 = arith.constant 0.000000e+00 : f32
      %broadcast_in_dim3A_80 = vector.broadcast %broadcast_in_dim3A_79 : f32 to vector<16xf32>
      %broadcast_in_dim3A_81 = arith.constant 0.000000e+00 : f32
      %broadcast_in_dim3A_82 = vector.broadcast %broadcast_in_dim3A_81 : f32 to vector<16xf32>
      %broadcast_in_dim3A_83 = arith.constant 0.000000e+00 : f32
      %broadcast_in_dim3A_84 = vector.broadcast %broadcast_in_dim3A_83 : f32 to vector<16xf32>
      %broadcast_in_dim3A_85 = arith.constant 0.000000e+00 : f32
      %broadcast_in_dim3A_86 = vector.broadcast %broadcast_in_dim3A_85 : f32 to vector<16xf32>
      %scan3A_87 = arith.constant 0 : i32
      %scan3A_88 = arith.constant 80 : i32
      %scan3A_89 = arith.addi %scan3A_87, %scan3A_88 : i32
      %scan3A_90 = arith.constant 1 : i32
      %scan3A_91:32 = scf.for %scan3A_427 = %scan3A_87 to %scan3A_89 step %scan3A_90 iter_args(%scan3A_428 = %broadcast_in_dim3A_24, %scan3A_429 = %broadcast_in_dim3A_26, %scan3A_430 = %broadcast_in_dim3A_28, %scan3A_431 = %broadcast_in_dim3A_30, %scan3A_432 = %broadcast_in_dim3A_32, %scan3A_433 = %broadcast_in_dim3A_34, %scan3A_434 = %broadcast_in_dim3A_36, %scan3A_435 = %broadcast_in_dim3A_38, %scan3A_436 = %broadcast_in_dim3A_40, %scan3A_437 = %broadcast_in_dim3A_42, %scan3A_438 = %broadcast_in_dim3A_44, %scan3A_439 = %broadcast_in_dim3A_46, %scan3A_440 = %broadcast_in_dim3A_48, %scan3A_441 = %broadcast_in_dim3A_50, %scan3A_442 = %broadcast_in_dim3A_52, %scan3A_443 = %broadcast_in_dim3A_54, %scan3A_444 = %broadcast_in_dim3A_56, %scan3A_445 = %broadcast_in_dim3A_58, %scan3A_446 = %broadcast_in_dim3A_60, %scan3A_447 = %broadcast_in_dim3A_62, %scan3A_448 = %broadcast_in_dim3A_64, %scan3A_449 = %broadcast_in_dim3A_66, %scan3A_450 = %broadcast_in_dim3A_68, %scan3A_451 = %broadcast_in_dim3A_70, %scan3A_452 = %broadcast_in_dim3A_72, %scan3A_453 = %broadcast_in_dim3A_74, %scan3A_454 = %broadcast_in_dim3A_76, %scan3A_455 = %broadcast_in_dim3A_78, %scan3A_456 = %broadcast_in_dim3A_80, %scan3A_457 = %broadcast_in_dim3A_82, %scan3A_458 = %broadcast_in_dim3A_84, %scan3A_459 = %broadcast_in_dim3A_86) -> (vector<16xf32>, vector<16xf32>, vector<16xf32>, vector<16xf32>, vector<16xf32>, vector<16xf32>, vector<16xf32>, vector<16xf32>, vector<16xf32>, vector<16xf32>, vector<16xf32>, vector<16xf32>, vector<16xf32>, vector<16xf32>, vector<16xf32>, vector<16xf32>, vector<16xf32>, vector<16xf32>, vector<16xf32>, vector<16xf32>, vector<16xf32>, vector<16xf32>, vector<16xf32>, vector<16xf32>, vector<16xf32>, vector<16xf32>, vector<16xf32>, vector<16xf32>, vector<16xf32>, vector<16xf32>, vector<16xf32>, vector<16xf32>)  : i32 {
        %get3A = arith.index_cast %scan3A_427 : i32 to index
        %get3A_460 = arith.constant 0 : index
        %get3A_461 = tpu.vector_load %arg8[%get3A, %get3A_460] {strides = array<i32>} : memref<80x16xf32, #tpu.memory_space<vmem>>, vector<1x16xf32>,
        %get3A_462 = vector.shape_cast %get3A_461 : vector<1x16xf32> to vector<16xf32>
        %get3A_463 = arith.index_cast %scan3A_427 : i32 to index
        %get3A_464 = arith.constant 0 : index
        %get3A_465 = tpu.vector_load %arg10[%get3A_463, %get3A_464] {strides = array<i32>} : memref<80x512xf32, #tpu.memory_space<vmem>>, vector<1x16xf32>,
        %get3A_466 = vector.shape_cast %get3A_465 : vector<1x16xf32> to vector<16xf32>
        %mul3A_467 = arith.mulf %get3A_466, %get3A_462 : vector<16xf32>
        %add3A_468 = arith.addf %scan3A_428, %mul3A_467 : vector<16xf32>
        %get3A_469 = arith.index_cast %scan3A_427 : i32 to index
        %get3A_470 = arith.constant 16 : index
        %get3A_471 = tpu.vector_load %arg10[%get3A_469, %get3A_470] {strides = array<i32>} : memref<80x512xf32, #tpu.memory_space<vmem>>, vector<1x16xf32>,
        %get3A_472 = vector.shape_cast %get3A_471 : vector<1x16xf32> to vector<16xf32>
        %mul3A_473 = arith.mulf %get3A_472, %get3A_462 : vector<16xf32>
        %add3A_474 = arith.addf %scan3A_429, %mul3A_473 : vector<16xf32>
        %get3A_475 = arith.index_cast %scan3A_427 : i32 to index
        %get3A_476 = arith.constant 32 : index
        %get3A_477 = tpu.vector_load %arg10[%get3A_475, %get3A_476] {strides = array<i32>} : memref<80x512xf32, #tpu.memory_space<vmem>>, vector<1x16xf32>,
        %get3A_478 = vector.shape_cast %get3A_477 : vector<1x16xf32> to vector<16xf32>
        %mul3A_479 = arith.mulf %get3A_478, %get3A_462 : vector<16xf32>
        %add3A_480 = arith.addf %scan3A_430, %mul3A_479 : vector<16xf32>
        %get3A_481 = arith.index_cast %scan3A_427 : i32 to index
        %get3A_482 = arith.constant 48 : index
        %get3A_483 = tpu.vector_load %arg10[%get3A_481, %get3A_482] {strides = array<i32>} : memref<80x512xf32, #tpu.memory_space<vmem>>, vector<1x16xf32>,
        %get3A_484 = vector.shape_cast %get3A_483 : vector<1x16xf32> to vector<16xf32>
        %mul3A_485 = arith.mulf %get3A_484, %get3A_462 : vector<16xf32>
        %add3A_486 = arith.addf %scan3A_431, %mul3A_485 : vector<16xf32>
        %get3A_487 = arith.index_cast %scan3A_427 : i32 to index
        %get3A_488 = arith.constant 64 : index
        %get3A_489 = tpu.vector_load %arg10[%get3A_487, %get3A_488] {strides = array<i32>} : memref<80x512xf32, #tpu.memory_space<vmem>>, vector<1x16xf32>,
        %get3A_490 = vector.shape_cast %get3A_489 : vector<1x16xf32> to vector<16xf32>
        %mul3A_491 = arith.mulf %get3A_490, %get3A_462 : vector<16xf32>
        %add3A_492 = arith.addf %scan3A_432, %mul3A_491 : vector<16xf32>
        %get3A_493 = arith.index_cast %scan3A_427 : i32 to index
        %get3A_494 = arith.constant 80 : index
        %get3A_495 = tpu.vector_load %arg10[%get3A_493, %get3A_494] {strides = array<i32>} : memref<80x512xf32, #tpu.memory_space<vmem>>, vector<1x16xf32>,
        %get3A_496 = vector.shape_cast %get3A_495 : vector<1x16xf32> to vector<16xf32>
        %mul3A_497 = arith.mulf %get3A_496, %get3A_462 : vector<16xf32>
        %add3A_498 = arith.addf %scan3A_433, %mul3A_497 : vector<16xf32>
        %get3A_499 = arith.index_cast %scan3A_427 : i32 to index
        %get3A_500 = arith.constant 96 : index
        %get3A_501 = tpu.vector_load %arg10[%get3A_499, %get3A_500] {strides = array<i32>} : memref<80x512xf32, #tpu.memory_space<vmem>>, vector<1x16xf32>,
        %get3A_502 = vector.shape_cast %get3A_501 : vector<1x16xf32> to vector<16xf32>
        %mul3A_503 = arith.mulf %get3A_502, %get3A_462 : vector<16xf32>
        %add3A_504 = arith.addf %scan3A_434, %mul3A_503 : vector<16xf32>
        %get3A_505 = arith.index_cast %scan3A_427 : i32 to index
        %get3A_506 = arith.constant 112 : index
        %get3A_507 = tpu.vector_load %arg10[%get3A_505, %get3A_506] {strides = array<i32>} : memref<80x512xf32, #tpu.memory_space<vmem>>, vector<1x16xf32>,
        %get3A_508 = vector.shape_cast %get3A_507 : vector<1x16xf32> to vector<16xf32>
        %mul3A_509 = arith.mulf %get3A_508, %get3A_462 : vector<16xf32>
        %add3A_510 = arith.addf %scan3A_435, %mul3A_509 : vector<16xf32>
        %get3A_511 = arith.index_cast %scan3A_427 : i32 to index
        %get3A_512 = arith.constant 128 : index
        %get3A_513 = tpu.vector_load %arg10[%get3A_511, %get3A_512] {strides = array<i32>} : memref<80x512xf32, #tpu.memory_space<vmem>>, vector<1x16xf32>,
        %get3A_514 = vector.shape_cast %get3A_513 : vector<1x16xf32> to vector<16xf32>
        %mul3A_515 = arith.mulf %get3A_514, %get3A_462 : vector<16xf32>
        %add3A_516 = arith.addf %scan3A_436, %mul3A_515 : vector<16xf32>
        %get3A_517 = arith.index_cast %scan3A_427 : i32 to index
        %get3A_518 = arith.constant 144 : index
        %get3A_519 = tpu.vector_load %arg10[%get3A_517, %get3A_518] {strides = array<i32>} : memref<80x512xf32, #tpu.memory_space<vmem>>, vector<1x16xf32>,
        %get3A_520 = vector.shape_cast %get3A_519 : vector<1x16xf32> to vector<16xf32>
        %mul3A_521 = arith.mulf %get3A_520, %get3A_462 : vector<16xf32>
        %add3A_522 = arith.addf %scan3A_437, %mul3A_521 : vector<16xf32>
        %get3A_523 = arith.index_cast %scan3A_427 : i32 to index
        %get3A_524 = arith.constant 160 : index
        %get3A_525 = tpu.vector_load %arg10[%get3A_523, %get3A_524] {strides = array<i32>} : memref<80x512xf32, #tpu.memory_space<vmem>>, vector<1x16xf32>,
        %get3A_526 = vector.shape_cast %get3A_525 : vector<1x16xf32> to vector<16xf32>
        %mul3A_527 = arith.mulf %get3A_526, %get3A_462 : vector<16xf32>
        %add3A_528 = arith.addf %scan3A_438, %mul3A_527 : vector<16xf32>
        %get3A_529 = arith.index_cast %scan3A_427 : i32 to index
        %get3A_530 = arith.constant 176 : index
        %get3A_531 = tpu.vector_load %arg10[%get3A_529, %get3A_530] {strides = array<i32>} : memref<80x512xf32, #tpu.memory_space<vmem>>, vector<1x16xf32>,
        %get3A_532 = vector.shape_cast %get3A_531 : vector<1x16xf32> to vector<16xf32>
        %mul3A_533 = arith.mulf %get3A_532, %get3A_462 : vector<16xf32>
        %add3A_534 = arith.addf %scan3A_439, %mul3A_533 : vector<16xf32>
        %get3A_535 = arith.index_cast %scan3A_427 : i32 to index
        %get3A_536 = arith.constant 192 : index
        %get3A_537 = tpu.vector_load %arg10[%get3A_535, %get3A_536] {strides = array<i32>} : memref<80x512xf32, #tpu.memory_space<vmem>>, vector<1x16xf32>,
        %get3A_538 = vector.shape_cast %get3A_537 : vector<1x16xf32> to vector<16xf32>
        %mul3A_539 = arith.mulf %get3A_538, %get3A_462 : vector<16xf32>
        %add3A_540 = arith.addf %scan3A_440, %mul3A_539 : vector<16xf32>
        %get3A_541 = arith.index_cast %scan3A_427 : i32 to index
        %get3A_542 = arith.constant 208 : index
        %get3A_543 = tpu.vector_load %arg10[%get3A_541, %get3A_542] {strides = array<i32>} : memref<80x512xf32, #tpu.memory_space<vmem>>, vector<1x16xf32>,
        %get3A_544 = vector.shape_cast %get3A_543 : vector<1x16xf32> to vector<16xf32>
        %mul3A_545 = arith.mulf %get3A_544, %get3A_462 : vector<16xf32>
        %add3A_546 = arith.addf %scan3A_441, %mul3A_545 : vector<16xf32>
        %get3A_547 = arith.index_cast %scan3A_427 : i32 to index
        %get3A_548 = arith.constant 224 : index
        %get3A_549 = tpu.vector_load %arg10[%get3A_547, %get3A_548] {strides = array<i32>} : memref<80x512xf32, #tpu.memory_space<vmem>>, vector<1x16xf32>,
        %get3A_550 = vector.shape_cast %get3A_549 : vector<1x16xf32> to vector<16xf32>
        %mul3A_551 = arith.mulf %get3A_550, %get3A_462 : vector<16xf32>
        %add3A_552 = arith.addf %scan3A_442, %mul3A_551 : vector<16xf32>
        %get3A_553 = arith.index_cast %scan3A_427 : i32 to index
        %get3A_554 = arith.constant 240 : index
        %get3A_555 = tpu.vector_load %arg10[%get3A_553, %get3A_554] {strides = array<i32>} : memref<80x512xf32, #tpu.memory_space<vmem>>, vector<1x16xf32>,
        %get3A_556 = vector.shape_cast %get3A_555 : vector<1x16xf32> to vector<16xf32>
        %mul3A_557 = arith.mulf %get3A_556, %get3A_462 : vector<16xf32>
        %add3A_558 = arith.addf %scan3A_443, %mul3A_557 : vector<16xf32>
        %get3A_559 = arith.index_cast %scan3A_427 : i32 to index
        %get3A_560 = arith.constant 256 : index
        %get3A_561 = tpu.vector_load %arg10[%get3A_559, %get3A_560] {strides = array<i32>} : memref<80x512xf32, #tpu.memory_space<vmem>>, vector<1x16xf32>,
        %get3A_562 = vector.shape_cast %get3A_561 : vector<1x16xf32> to vector<16xf32>
        %mul3A_563 = arith.mulf %get3A_562, %get3A_462 : vector<16xf32>
        %add3A_564 = arith.addf %scan3A_444, %mul3A_563 : vector<16xf32>
        %get3A_565 = arith.index_cast %scan3A_427 : i32 to index
        %get3A_566 = arith.constant 272 : index
        %get3A_567 = tpu.vector_load %arg10[%get3A_565, %get3A_566] {strides = array<i32>} : memref<80x512xf32, #tpu.memory_space<vmem>>, vector<1x16xf32>,
        %get3A_568 = vector.shape_cast %get3A_567 : vector<1x16xf32> to vector<16xf32>
        %mul3A_569 = arith.mulf %get3A_568, %get3A_462 : vector<16xf32>
        %add3A_570 = arith.addf %scan3A_445, %mul3A_569 : vector<16xf32>
        %get3A_571 = arith.index_cast %scan3A_427 : i32 to index
        %get3A_572 = arith.constant 288 : index
        %get3A_573 = tpu.vector_load %arg10[%get3A_571, %get3A_572] {strides = array<i32>} : memref<80x512xf32, #tpu.memory_space<vmem>>, vector<1x16xf32>,
        %get3A_574 = vector.shape_cast %get3A_573 : vector<1x16xf32> to vector<16xf32>
        %mul3A_575 = arith.mulf %get3A_574, %get3A_462 : vector<16xf32>
        %add3A_576 = arith.addf %scan3A_446, %mul3A_575 : vector<16xf32>
        %get3A_577 = arith.index_cast %scan3A_427 : i32 to index
        %get3A_578 = arith.constant 304 : index
        %get3A_579 = tpu.vector_load %arg10[%get3A_577, %get3A_578] {strides = array<i32>} : memref<80x512xf32, #tpu.memory_space<vmem>>, vector<1x16xf32>,
        %get3A_580 = vector.shape_cast %get3A_579 : vector<1x16xf32> to vector<16xf32>
        %mul3A_581 = arith.mulf %get3A_580, %get3A_462 : vector<16xf32>
        %add3A_582 = arith.addf %scan3A_447, %mul3A_581 : vector<16xf32>
        %get3A_583 = arith.index_cast %scan3A_427 : i32 to index
        %get3A_584 = arith.constant 320 : index
        %get3A_585 = tpu.vector_load %arg10[%get3A_583, %get3A_584] {strides = array<i32>} : memref<80x512xf32, #tpu.memory_space<vmem>>, vector<1x16xf32>,
        %get3A_586 = vector.shape_cast %get3A_585 : vector<1x16xf32> to vector<16xf32>
        %mul3A_587 = arith.mulf %get3A_586, %get3A_462 : vector<16xf32>
        %add3A_588 = arith.addf %scan3A_448, %mul3A_587 : vector<16xf32>
        %get3A_589 = arith.index_cast %scan3A_427 : i32 to index
        %get3A_590 = arith.constant 336 : index
        %get3A_591 = tpu.vector_load %arg10[%get3A_589, %get3A_590] {strides = array<i32>} : memref<80x512xf32, #tpu.memory_space<vmem>>, vector<1x16xf32>,
        %get3A_592 = vector.shape_cast %get3A_591 : vector<1x16xf32> to vector<16xf32>
        %mul3A_593 = arith.mulf %get3A_592, %get3A_462 : vector<16xf32>
        %add3A_594 = arith.addf %scan3A_449, %mul3A_593 : vector<16xf32>
        %get3A_595 = arith.index_cast %scan3A_427 : i32 to index
        %get3A_596 = arith.constant 352 : index
        %get3A_597 = tpu.vector_load %arg10[%get3A_595, %get3A_596] {strides = array<i32>} : memref<80x512xf32, #tpu.memory_space<vmem>>, vector<1x16xf32>,
        %get3A_598 = vector.shape_cast %get3A_597 : vector<1x16xf32> to vector<16xf32>
        %mul3A_599 = arith.mulf %get3A_598, %get3A_462 : vector<16xf32>
        %add3A_600 = arith.addf %scan3A_450, %mul3A_599 : vector<16xf32>
        %get3A_601 = arith.index_cast %scan3A_427 : i32 to index
        %get3A_602 = arith.constant 368 : index
        %get3A_603 = tpu.vector_load %arg10[%get3A_601, %get3A_602] {strides = array<i32>} : memref<80x512xf32, #tpu.memory_space<vmem>>, vector<1x16xf32>,
        %get3A_604 = vector.shape_cast %get3A_603 : vector<1x16xf32> to vector<16xf32>
        %mul3A_605 = arith.mulf %get3A_604, %get3A_462 : vector<16xf32>
        %add3A_606 = arith.addf %scan3A_451, %mul3A_605 : vector<16xf32>
        %get3A_607 = arith.index_cast %scan3A_427 : i32 to index
        %get3A_608 = arith.constant 384 : index
        %get3A_609 = tpu.vector_load %arg10[%get3A_607, %get3A_608] {strides = array<i32>} : memref<80x512xf32, #tpu.memory_space<vmem>>, vector<1x16xf32>,
        %get3A_610 = vector.shape_cast %get3A_609 : vector<1x16xf32> to vector<16xf32>
        %mul3A_611 = arith.mulf %get3A_610, %get3A_462 : vector<16xf32>
        %add3A_612 = arith.addf %scan3A_452, %mul3A_611 : vector<16xf32>
        %get3A_613 = arith.index_cast %scan3A_427 : i32 to index
        %get3A_614 = arith.constant 400 : index
        %get3A_615 = tpu.vector_load %arg10[%get3A_613, %get3A_614] {strides = array<i32>} : memref<80x512xf32, #tpu.memory_space<vmem>>, vector<1x16xf32>,
        %get3A_616 = vector.shape_cast %get3A_615 : vector<1x16xf32> to vector<16xf32>
        %mul3A_617 = arith.mulf %get3A_616, %get3A_462 : vector<16xf32>
        %add3A_618 = arith.addf %scan3A_453, %mul3A_617 : vector<16xf32>
        %get3A_619 = arith.index_cast %scan3A_427 : i32 to index
        %get3A_620 = arith.constant 416 : index
        %get3A_621 = tpu.vector_load %arg10[%get3A_619, %get3A_620] {strides = array<i32>} : memref<80x512xf32, #tpu.memory_space<vmem>>, vector<1x16xf32>,
        %get3A_622 = vector.shape_cast %get3A_621 : vector<1x16xf32> to vector<16xf32>
        %mul3A_623 = arith.mulf %get3A_622, %get3A_462 : vector<16xf32>
        %add3A_624 = arith.addf %scan3A_454, %mul3A_623 : vector<16xf32>
        %get3A_625 = arith.index_cast %scan3A_427 : i32 to index
        %get3A_626 = arith.constant 432 : index
        %get3A_627 = tpu.vector_load %arg10[%get3A_625, %get3A_626] {strides = array<i32>} : memref<80x512xf32, #tpu.memory_space<vmem>>, vector<1x16xf32>,
        %get3A_628 = vector.shape_cast %get3A_627 : vector<1x16xf32> to vector<16xf32>
        %mul3A_629 = arith.mulf %get3A_628, %get3A_462 : vector<16xf32>
        %add3A_630 = arith.addf %scan3A_455, %mul3A_629 : vector<16xf32>
        %get3A_631 = arith.index_cast %scan3A_427 : i32 to index
        %get3A_632 = arith.constant 448 : index
        %get3A_633 = tpu.vector_load %arg10[%get3A_631, %get3A_632] {strides = array<i32>} : memref<80x512xf32, #tpu.memory_space<vmem>>, vector<1x16xf32>,
        %get3A_634 = vector.shape_cast %get3A_633 : vector<1x16xf32> to vector<16xf32>
        %mul3A_635 = arith.mulf %get3A_634, %get3A_462 : vector<16xf32>
        %add3A_636 = arith.addf %scan3A_456, %mul3A_635 : vector<16xf32>
        %get3A_637 = arith.index_cast %scan3A_427 : i32 to index
        %get3A_638 = arith.constant 464 : index
        %get3A_639 = tpu.vector_load %arg10[%get3A_637, %get3A_638] {strides = array<i32>} : memref<80x512xf32, #tpu.memory_space<vmem>>, vector<1x16xf32>,
        %get3A_640 = vector.shape_cast %get3A_639 : vector<1x16xf32> to vector<16xf32>
        %mul3A_641 = arith.mulf %get3A_640, %get3A_462 : vector<16xf32>
        %add3A_642 = arith.addf %scan3A_457, %mul3A_641 : vector<16xf32>
        %get3A_643 = arith.index_cast %scan3A_427 : i32 to index
        %get3A_644 = arith.constant 480 : index
        %get3A_645 = tpu.vector_load %arg10[%get3A_643, %get3A_644] {strides = array<i32>} : memref<80x512xf32, #tpu.memory_space<vmem>>, vector<1x16xf32>,
        %get3A_646 = vector.shape_cast %get3A_645 : vector<1x16xf32> to vector<16xf32>
        %mul3A_647 = arith.mulf %get3A_646, %get3A_462 : vector<16xf32>
        %add3A_648 = arith.addf %scan3A_458, %mul3A_647 : vector<16xf32>
        %get3A_649 = arith.index_cast %scan3A_427 : i32 to index
        %get3A_650 = arith.constant 496 : index
        %get3A_651 = tpu.vector_load %arg10[%get3A_649, %get3A_650] {strides = array<i32>} : memref<80x512xf32, #tpu.memory_space<vmem>>, vector<1x16xf32>,
        %get3A_652 = vector.shape_cast %get3A_651 : vector<1x16xf32> to vector<16xf32>
        %mul3A_653 = arith.mulf %get3A_652, %get3A_462 : vector<16xf32>
        %add3A_654 = arith.addf %scan3A_459, %mul3A_653 : vector<16xf32>
        scf.yield %add3A_468, %add3A_474, %add3A_480, %add3A_486, %add3A_492, %add3A_498, %add3A_504, %add3A_510, %add3A_516, %add3A_522, %add3A_528, %add3A_534, %add3A_540, %add3A_546, %add3A_552, %add3A_558, %add3A_564, %add3A_570, %add3A_576, %add3A_582, %add3A_588, %add3A_594, %add3A_600, %add3A_606, %add3A_612, %add3A_618, %add3A_624, %add3A_630, %add3A_636, %add3A_642, %add3A_648, %add3A_654 : vector<16xf32>, vector<16xf32>, vector<16xf32>, vector<16xf32>, vector<16xf32>, vector<16xf32>, vector<16xf32>, vector<16xf32>, vector<16xf32>, vector<16xf32>, vector<16xf32>, vector<16xf32>, vector<16xf32>, vector<16xf32>, vector<16xf32>, vector<16xf32>, vector<16xf32>, vector<16xf32>, vector<16xf32>, vector<16xf32>, vector<16xf32>, vector<16xf32>, vector<16xf32>, vector<16xf32>, vector<16xf32>, vector<16xf32>, vector<16xf32>, vector<16xf32>, vector<16xf32>, vector<16xf32>, vector<16xf32>, vector<16xf32>
      }
      %scan3A_92 = arith.constant 80 : i32
      %swap3A = arith.constant 0 : index
      %swap3A_93 = tpu.vector_load %arg12[%swap3A] {strides = array<i32>} : memref<512xf32, #tpu.memory_space<vmem>>, vector<16xf32>,
      %swap3A_94 = vector.shape_cast %swap3A_93 : vector<16xf32> to vector<16xf32>
      %swap3A_95 = vector.shape_cast %scan3A_91#0 : vector<16xf32> to vector<16xf32>
      tpu.vector_store %arg12[%swap3A], %swap3A_95 {strides = array<i32>} : memref<512xf32, #tpu.memory_space<vmem>>, vector<16xf32>,
      %swap3A_96 = arith.constant 16 : index
      %swap3A_97 = tpu.vector_load %arg12[%swap3A_96] {strides = array<i32>} : memref<512xf32, #tpu.memory_space<vmem>>, vector<16xf32>,
      %swap3A_98 = vector.shape_cast %swap3A_97 : vector<16xf32> to vector<16xf32>
      %swap3A_99 = vector.shape_cast %scan3A_91#1 : vector<16xf32> to vector<16xf32>
      tpu.vector_store %arg12[%swap3A_96], %swap3A_99 {strides = array<i32>} : memref<512xf32, #tpu.memory_space<vmem>>, vector<16xf32>,
      %swap3A_100 = arith.constant 32 : index
      %swap3A_101 = tpu.vector_load %arg12[%swap3A_100] {strides = array<i32>} : memref<512xf32, #tpu.memory_space<vmem>>, vector<16xf32>,
      %swap3A_102 = vector.shape_cast %swap3A_101 : vector<16xf32> to vector<16xf32>
      %swap3A_103 = vector.shape_cast %scan3A_91#2 : vector<16xf32> to vector<16xf32>
      tpu.vector_store %arg12[%swap3A_100], %swap3A_103 {strides = array<i32>} : memref<512xf32, #tpu.memory_space<vmem>>, vector<16xf32>,
      %swap3A_104 = arith.constant 48 : index
      %swap3A_105 = tpu.vector_load %arg12[%swap3A_104] {strides = array<i32>} : memref<512xf32, #tpu.memory_space<vmem>>, vector<16xf32>,
      %swap3A_106 = vector.shape_cast %swap3A_105 : vector<16xf32> to vector<16xf32>
      %swap3A_107 = vector.shape_cast %scan3A_91#3 : vector<16xf32> to vector<16xf32>
      tpu.vector_store %arg12[%swap3A_104], %swap3A_107 {strides = array<i32>} : memref<512xf32, #tpu.memory_space<vmem>>, vector<16xf32>,
      %swap3A_108 = arith.constant 64 : index
      %swap3A_109 = tpu.vector_load %arg12[%swap3A_108] {strides = array<i32>} : memref<512xf32, #tpu.memory_space<vmem>>, vector<16xf32>,
      %swap3A_110 = vector.shape_cast %swap3A_109 : vector<16xf32> to vector<16xf32>
      %swap3A_111 = vector.shape_cast %scan3A_91#4 : vector<16xf32> to vector<16xf32>
      tpu.vector_store %arg12[%swap3A_108], %swap3A_111 {strides = array<i32>} : memref<512xf32, #tpu.memory_space<vmem>>, vector<16xf32>,
      %swap3A_112 = arith.constant 80 : index
      %swap3A_113 = tpu.vector_load %arg12[%swap3A_112] {strides = array<i32>} : memref<512xf32, #tpu.memory_space<vmem>>, vector<16xf32>,
      %swap3A_114 = vector.shape_cast %swap3A_113 : vector<16xf32> to vector<16xf32>
      %swap3A_115 = vector.shape_cast %scan3A_91#5 : vector<16xf32> to vector<16xf32>
      tpu.vector_store %arg12[%swap3A_112], %swap3A_115 {strides = array<i32>} : memref<512xf32, #tpu.memory_space<vmem>>, vector<16xf32>,
      %swap3A_116 = arith.constant 96 : index
      %swap3A_117 = tpu.vector_load %arg12[%swap3A_116] {strides = array<i32>} : memref<512xf32, #tpu.memory_space<vmem>>, vector<16xf32>,
      %swap3A_118 = vector.shape_cast %swap3A_117 : vector<16xf32> to vector<16xf32>
      %swap3A_119 = vector.shape_cast %scan3A_91#6 : vector<16xf32> to vector<16xf32>
      tpu.vector_store %arg12[%swap3A_116], %swap3A_119 {strides = array<i32>} : memref<512xf32, #tpu.memory_space<vmem>>, vector<16xf32>,
      %swap3A_120 = arith.constant 112 : index
      %swap3A_121 = tpu.vector_load %arg12[%swap3A_120] {strides = array<i32>} : memref<512xf32, #tpu.memory_space<vmem>>, vector<16xf32>,
      %swap3A_122 = vector.shape_cast %swap3A_121 : vector<16xf32> to vector<16xf32>
      %swap3A_123 = vector.shape_cast %scan3A_91#7 : vector<16xf32> to vector<16xf32>
      tpu.vector_store %arg12[%swap3A_120], %swap3A_123 {strides = array<i32>} : memref<512xf32, #tpu.memory_space<vmem>>, vector<16xf32>,
      %swap3A_124 = arith.constant 128 : index
      %swap3A_125 = tpu.vector_load %arg12[%swap3A_124] {strides = array<i32>} : memref<512xf32, #tpu.memory_space<vmem>>, vector<16xf32>,
      %swap3A_126 = vector.shape_cast %swap3A_125 : vector<16xf32> to vector<16xf32>
      %swap3A_127 = vector.shape_cast %scan3A_91#8 : vector<16xf32> to vector<16xf32>
      tpu.vector_store %arg12[%swap3A_124], %swap3A_127 {strides = array<i32>} : memref<512xf32, #tpu.memory_space<vmem>>, vector<16xf32>,
      %swap3A_128 = arith.constant 144 : index
      %swap3A_129 = tpu.vector_load %arg12[%swap3A_128] {strides = array<i32>} : memref<512xf32, #tpu.memory_space<vmem>>, vector<16xf32>,
      %swap3A_130 = vector.shape_cast %swap3A_129 : vector<16xf32> to vector<16xf32>
      %swap3A_131 = vector.shape_cast %scan3A_91#9 : vector<16xf32> to vector<16xf32>
      tpu.vector_store %arg12[%swap3A_128], %swap3A_131 {strides = array<i32>} : memref<512xf32, #tpu.memory_space<vmem>>, vector<16xf32>,
      %swap3A_132 = arith.constant 160 : index
      %swap3A_133 = tpu.vector_load %arg12[%swap3A_132] {strides = array<i32>} : memref<512xf32, #tpu.memory_space<vmem>>, vector<16xf32>,
      %swap3A_134 = vector.shape_cast %swap3A_133 : vector<16xf32> to vector<16xf32>
      %swap3A_135 = vector.shape_cast %scan3A_91#10 : vector<16xf32> to vector<16xf32>
      tpu.vector_store %arg12[%swap3A_132], %swap3A_135 {strides = array<i32>} : memref<512xf32, #tpu.memory_space<vmem>>, vector<16xf32>,
      %swap3A_136 = arith.constant 176 : index
      %swap3A_137 = tpu.vector_load %arg12[%swap3A_136] {strides = array<i32>} : memref<512xf32, #tpu.memory_space<vmem>>, vector<16xf32>,
      %swap3A_138 = vector.shape_cast %swap3A_137 : vector<16xf32> to vector<16xf32>
      %swap3A_139 = vector.shape_cast %scan3A_91#11 : vector<16xf32> to vector<16xf32>
      tpu.vector_store %arg12[%swap3A_136], %swap3A_139 {strides = array<i32>} : memref<512xf32, #tpu.memory_space<vmem>>, vector<16xf32>,
      %swap3A_140 = arith.constant 192 : index
      %swap3A_141 = tpu.vector_load %arg12[%swap3A_140] {strides = array<i32>} : memref<512xf32, #tpu.memory_space<vmem>>, vector<16xf32>,
      %swap3A_142 = vector.shape_cast %swap3A_141 : vector<16xf32> to vector<16xf32>
      %swap3A_143 = vector.shape_cast %scan3A_91#12 : vector<16xf32> to vector<16xf32>
      tpu.vector_store %arg12[%swap3A_140], %swap3A_143 {strides = array<i32>} : memref<512xf32, #tpu.memory_space<vmem>>, vector<16xf32>,
      %swap3A_144 = arith.constant 208 : index
      %swap3A_145 = tpu.vector_load %arg12[%swap3A_144] {strides = array<i32>} : memref<512xf32, #tpu.memory_space<vmem>>, vector<16xf32>,
      %swap3A_146 = vector.shape_cast %swap3A_145 : vector<16xf32> to vector<16xf32>
      %swap3A_147 = vector.shape_cast %scan3A_91#13 : vector<16xf32> to vector<16xf32>
      tpu.vector_store %arg12[%swap3A_144], %swap3A_147 {strides = array<i32>} : memref<512xf32, #tpu.memory_space<vmem>>, vector<16xf32>,
      %swap3A_148 = arith.constant 224 : index
      %swap3A_149 = tpu.vector_load %arg12[%swap3A_148] {strides = array<i32>} : memref<512xf32, #tpu.memory_space<vmem>>, vector<16xf32>,
      %swap3A_150 = vector.shape_cast %swap3A_149 : vector<16xf32> to vector<16xf32>
      %swap3A_151 = vector.shape_cast %scan3A_91#14 : vector<16xf32> to vector<16xf32>
      tpu.vector_store %arg12[%swap3A_148], %swap3A_151 {strides = array<i32>} : memref<512xf32, #tpu.memory_space<vmem>>, vector<16xf32>,
      %swap3A_152 = arith.constant 240 : index
      %swap3A_153 = tpu.vector_load %arg12[%swap3A_152] {strides = array<i32>} : memref<512xf32, #tpu.memory_space<vmem>>, vector<16xf32>,
      %swap3A_154 = vector.shape_cast %swap3A_153 : vector<16xf32> to vector<16xf32>
      %swap3A_155 = vector.shape_cast %scan3A_91#15 : vector<16xf32> to vector<16xf32>
      tpu.vector_store %arg12[%swap3A_152], %swap3A_155 {strides = array<i32>} : memref<512xf32, #tpu.memory_space<vmem>>, vector<16xf32>,
      %swap3A_156 = arith.constant 256 : index
      %swap3A_157 = tpu.vector_load %arg12[%swap3A_156] {strides = array<i32>} : memref<512xf32, #tpu.memory_space<vmem>>, vector<16xf32>,
      %swap3A_158 = vector.shape_cast %swap3A_157 : vector<16xf32> to vector<16xf32>
      %swap3A_159 = vector.shape_cast %scan3A_91#16 : vector<16xf32> to vector<16xf32>
      tpu.vector_store %arg12[%swap3A_156], %swap3A_159 {strides = array<i32>} : memref<512xf32, #tpu.memory_space<vmem>>, vector<16xf32>,
      %swap3A_160 = arith.constant 272 : index
      %swap3A_161 = tpu.vector_load %arg12[%swap3A_160] {strides = array<i32>} : memref<512xf32, #tpu.memory_space<vmem>>, vector<16xf32>,
      %swap3A_162 = vector.shape_cast %swap3A_161 : vector<16xf32> to vector<16xf32>
      %swap3A_163 = vector.shape_cast %scan3A_91#17 : vector<16xf32> to vector<16xf32>
      tpu.vector_store %arg12[%swap3A_160], %swap3A_163 {strides = array<i32>} : memref<512xf32, #tpu.memory_space<vmem>>, vector<16xf32>,
      %swap3A_164 = arith.constant 288 : index
      %swap3A_165 = tpu.vector_load %arg12[%swap3A_164] {strides = array<i32>} : memref<512xf32, #tpu.memory_space<vmem>>, vector<16xf32>,
      %swap3A_166 = vector.shape_cast %swap3A_165 : vector<16xf32> to vector<16xf32>
      %swap3A_167 = vector.shape_cast %scan3A_91#18 : vector<16xf32> to vector<16xf32>
      tpu.vector_store %arg12[%swap3A_164], %swap3A_167 {strides = array<i32>} : memref<512xf32, #tpu.memory_space<vmem>>, vector<16xf32>,
      %swap3A_168 = arith.constant 304 : index
      %swap3A_169 = tpu.vector_load %arg12[%swap3A_168] {strides = array<i32>} : memref<512xf32, #tpu.memory_space<vmem>>, vector<16xf32>,
      %swap3A_170 = vector.shape_cast %swap3A_169 : vector<16xf32> to vector<16xf32>
      %swap3A_171 = vector.shape_cast %scan3A_91#19 : vector<16xf32> to vector<16xf32>
      tpu.vector_store %arg12[%swap3A_168], %swap3A_171 {strides = array<i32>} : memref<512xf32, #tpu.memory_space<vmem>>, vector<16xf32>,
      %swap3A_172 = arith.constant 320 : index
      %swap3A_173 = tpu.vector_load %arg12[%swap3A_172] {strides = array<i32>} : memref<512xf32, #tpu.memory_space<vmem>>, vector<16xf32>,
      %swap3A_174 = vector.shape_cast %swap3A_173 : vector<16xf32> to vector<16xf32>
      %swap3A_175 = vector.shape_cast %scan3A_91#20 : vector<16xf32> to vector<16xf32>
      tpu.vector_store %arg12[%swap3A_172], %swap3A_175 {strides = array<i32>} : memref<512xf32, #tpu.memory_space<vmem>>, vector<16xf32>,
      %swap3A_176 = arith.constant 336 : index
      %swap3A_177 = tpu.vector_load %arg12[%swap3A_176] {strides = array<i32>} : memref<512xf32, #tpu.memory_space<vmem>>, vector<16xf32>,
      %swap3A_178 = vector.shape_cast %swap3A_177 : vector<16xf32> to vector<16xf32>
      %swap3A_179 = vector.shape_cast %scan3A_91#21 : vector<16xf32> to vector<16xf32>
      tpu.vector_store %arg12[%swap3A_176], %swap3A_179 {strides = array<i32>} : memref<512xf32, #tpu.memory_space<vmem>>, vector<16xf32>,
      %swap3A_180 = arith.constant 352 : index
      %swap3A_181 = tpu.vector_load %arg12[%swap3A_180] {strides = array<i32>} : memref<512xf32, #tpu.memory_space<vmem>>, vector<16xf32>,
      %swap3A_182 = vector.shape_cast %swap3A_181 : vector<16xf32> to vector<16xf32>
      %swap3A_183 = vector.shape_cast %scan3A_91#22 : vector<16xf32> to vector<16xf32>
      tpu.vector_store %arg12[%swap3A_180], %swap3A_183 {strides = array<i32>} : memref<512xf32, #tpu.memory_space<vmem>>, vector<16xf32>,
      %swap3A_184 = arith.constant 368 : index
      %swap3A_185 = tpu.vector_load %arg12[%swap3A_184] {strides = array<i32>} : memref<512xf32, #tpu.memory_space<vmem>>, vector<16xf32>,
      %swap3A_186 = vector.shape_cast %swap3A_185 : vector<16xf32> to vector<16xf32>
      %swap3A_187 = vector.shape_cast %scan3A_91#23 : vector<16xf32> to vector<16xf32>
      tpu.vector_store %arg12[%swap3A_184], %swap3A_187 {strides = array<i32>} : memref<512xf32, #tpu.memory_space<vmem>>, vector<16xf32>,
      %swap3A_188 = arith.constant 384 : index
      %swap3A_189 = tpu.vector_load %arg12[%swap3A_188] {strides = array<i32>} : memref<512xf32, #tpu.memory_space<vmem>>, vector<16xf32>,
      %swap3A_190 = vector.shape_cast %swap3A_189 : vector<16xf32> to vector<16xf32>
      %swap3A_191 = vector.shape_cast %scan3A_91#24 : vector<16xf32> to vector<16xf32>
      tpu.vector_store %arg12[%swap3A_188], %swap3A_191 {strides = array<i32>} : memref<512xf32, #tpu.memory_space<vmem>>, vector<16xf32>,
      %swap3A_192 = arith.constant 400 : index
      %swap3A_193 = tpu.vector_load %arg12[%swap3A_192] {strides = array<i32>} : memref<512xf32, #tpu.memory_space<vmem>>, vector<16xf32>,
      %swap3A_194 = vector.shape_cast %swap3A_193 : vector<16xf32> to vector<16xf32>
      %swap3A_195 = vector.shape_cast %scan3A_91#25 : vector<16xf32> to vector<16xf32>
      tpu.vector_store %arg12[%swap3A_192], %swap3A_195 {strides = array<i32>} : memref<512xf32, #tpu.memory_space<vmem>>, vector<16xf32>,
      %swap3A_196 = arith.constant 416 : index
      %swap3A_197 = tpu.vector_load %arg12[%swap3A_196] {strides = array<i32>} : memref<512xf32, #tpu.memory_space<vmem>>, vector<16xf32>,
      %swap3A_198 = vector.shape_cast %swap3A_197 : vector<16xf32> to vector<16xf32>
      %swap3A_199 = vector.shape_cast %scan3A_91#26 : vector<16xf32> to vector<16xf32>
      tpu.vector_store %arg12[%swap3A_196], %swap3A_199 {strides = array<i32>} : memref<512xf32, #tpu.memory_space<vmem>>, vector<16xf32>,
      %swap3A_200 = arith.constant 432 : index
      %swap3A_201 = tpu.vector_load %arg12[%swap3A_200] {strides = array<i32>} : memref<512xf32, #tpu.memory_space<vmem>>, vector<16xf32>,
      %swap3A_202 = vector.shape_cast %swap3A_201 : vector<16xf32> to vector<16xf32>
      %swap3A_203 = vector.shape_cast %scan3A_91#27 : vector<16xf32> to vector<16xf32>
      tpu.vector_store %arg12[%swap3A_200], %swap3A_203 {strides = array<i32>} : memref<512xf32, #tpu.memory_space<vmem>>, vector<16xf32>,
      %swap3A_204 = arith.constant 448 : index
      %swap3A_205 = tpu.vector_load %arg12[%swap3A_204] {strides = array<i32>} : memref<512xf32, #tpu.memory_space<vmem>>, vector<16xf32>,
      %swap3A_206 = vector.shape_cast %swap3A_205 : vector<16xf32> to vector<16xf32>
      %swap3A_207 = vector.shape_cast %scan3A_91#28 : vector<16xf32> to vector<16xf32>
      tpu.vector_store %arg12[%swap3A_204], %swap3A_207 {strides = array<i32>} : memref<512xf32, #tpu.memory_space<vmem>>, vector<16xf32>,
      %swap3A_208 = arith.constant 464 : index
      %swap3A_209 = tpu.vector_load %arg12[%swap3A_208] {strides = array<i32>} : memref<512xf32, #tpu.memory_space<vmem>>, vector<16xf32>,
      %swap3A_210 = vector.shape_cast %swap3A_209 : vector<16xf32> to vector<16xf32>
      %swap3A_211 = vector.shape_cast %scan3A_91#29 : vector<16xf32> to vector<16xf32>
      tpu.vector_store %arg12[%swap3A_208], %swap3A_211 {strides = array<i32>} : memref<512xf32, #tpu.memory_space<vmem>>, vector<16xf32>,
      %swap3A_212 = arith.constant 480 : index
      %swap3A_213 = tpu.vector_load %arg12[%swap3A_212] {strides = array<i32>} : memref<512xf32, #tpu.memory_space<vmem>>, vector<16xf32>,
      %swap3A_214 = vector.shape_cast %swap3A_213 : vector<16xf32> to vector<16xf32>
      %swap3A_215 = vector.shape_cast %scan3A_91#30 : vector<16xf32> to vector<16xf32>
      tpu.vector_store %arg12[%swap3A_212], %swap3A_215 {strides = array<i32>} : memref<512xf32, #tpu.memory_space<vmem>>, vector<16xf32>,
      %swap3A_216 = arith.constant 496 : index
      %swap3A_217 = tpu.vector_load %arg12[%swap3A_216] {strides = array<i32>} : memref<512xf32, #tpu.memory_space<vmem>>, vector<16xf32>,
      %swap3A_218 = vector.shape_cast %swap3A_217 : vector<16xf32> to vector<16xf32>
      %swap3A_219 = vector.shape_cast %scan3A_91#31 : vector<16xf32> to vector<16xf32>
      tpu.vector_store %arg12[%swap3A_216], %swap3A_219 {strides = array<i32>} : memref<512xf32, #tpu.memory_space<vmem>>, vector<16xf32>,
      "tpu.region"() ({
        %run_scoped3A = tpu.sem_alloc : memref<!tpu.dma_semaphore, #tpu.memory_space<semaphore_mem>>
        %dma_start3A_427 = arith.constant 0 : i32
        %dma_start3A_428 = tpu.memref_slice %arg5[%add3A_15, %dma_start3A_427] : memref<4096x512xf32, #tpu.memory_space<hbm>> -> memref<1x512xf32, #tpu.memory_space<hbm>>
        %dma_start3A_429 = tpu.memref_squeeze %dma_start3A_428 : memref<1x512xf32, #tpu.memory_space<hbm>> -> memref<512xf32, #tpu.memory_space<hbm>>
        %dma_start3A_430 = arith.constant 0 : i32
        %dma_start3A_431 = tpu.memref_slice %arg5[%add3A_15, %dma_start3A_430] : memref<4096x512xf32, #tpu.memory_space<hbm>> -> memref<1x512xf32, #tpu.memory_space<hbm>>
        %dma_start3A_432 = tpu.memref_squeeze %dma_start3A_431 : memref<1x512xf32, #tpu.memory_space<hbm>> -> memref<512xf32, #tpu.memory_space<hbm>>
        tpu.enqueue_dma source(%arg12 : memref<512xf32, #tpu.memory_space<vmem>>) target(%dma_start3A_432 : memref<512xf32, #tpu.memory_space<hbm>>) target_semaphore(%run_scoped3A : memref<!tpu.dma_semaphore, #tpu.memory_space<semaphore_mem>>)
        %dma_wait3A_433 = arith.constant 0 : i32
        %dma_wait3A_434 = tpu.memref_slice %arg5[%add3A_15, %dma_wait3A_433] : memref<4096x512xf32, #tpu.memory_space<hbm>> -> memref<1x512xf32, #tpu.memory_space<hbm>>
        %dma_wait3A_435 = tpu.memref_squeeze %dma_wait3A_434 : memref<1x512xf32, #tpu.memory_space<hbm>> -> memref<512xf32, #tpu.memory_space<hbm>>
        %dma_wait3A_436 = arith.constant 0 : i32
        %dma_wait3A_437 = tpu.memref_slice %arg5[%add3A_15, %dma_wait3A_436] : memref<4096x512xf32, #tpu.memory_space<hbm>> -> memref<1x512xf32, #tpu.memory_space<hbm>>
        %dma_wait3A_438 = tpu.memref_squeeze %dma_wait3A_437 : memref<1x512xf32, #tpu.memory_space<hbm>> -> memref<512xf32, #tpu.memory_space<hbm>>
        tpu.wait_dma2 semaphore(%run_scoped3A : memref<!tpu.dma_semaphore, #tpu.memory_space<semaphore_mem>>) src(%arg12 : memref<512xf32, #tpu.memory_space<vmem>>) dst(%dma_wait3A_438 : memref<512xf32, #tpu.memory_space<hbm>>)
        tpu.yield
      }) : () -> ()
      %add3A_220 = arith.constant 2 : i32
      %add3A_221 = arith.addi %add3A_15, %add3A_220 : i32
      %min3A = arith.constant 4095 : i32
      %min3A_222 = arith.minsi %add3A_221, %min3A : i32
      "tpu.region"() ({
        %run_scoped3A = tpu.sem_alloc : memref<!tpu.dma_semaphore, #tpu.memory_space<semaphore_mem>>
        %dma_start3A_427 = arith.constant 0 : i32
        %dma_start3A_428 = tpu.memref_slice %arg2[%min3A_222, %dma_start3A_427] : memref<4096x80xi32, #tpu.memory_space<hbm>> -> memref<1x80xi32, #tpu.memory_space<hbm>>
        %dma_start3A_429 = tpu.memref_squeeze %dma_start3A_428 : memref<1x80xi32, #tpu.memory_space<hbm>> -> memref<80xi32, #tpu.memory_space<hbm>>
        %dma_start3A_430 = arith.constant 0 : i32
        %dma_start3A_431 = tpu.memref_slice %arg2[%min3A_222, %dma_start3A_430] : memref<4096x80xi32, #tpu.memory_space<hbm>> -> memref<1x80xi32, #tpu.memory_space<hbm>>
        %dma_start3A_432 = tpu.memref_squeeze %dma_start3A_431 : memref<1x80xi32, #tpu.memory_space<hbm>> -> memref<80xi32, #tpu.memory_space<hbm>>
        tpu.enqueue_dma source(%dma_start3A_432 : memref<80xi32, #tpu.memory_space<hbm>>) target(%arg6 : memref<80xi32, #tpu.memory_space<vmem>>) target_semaphore(%run_scoped3A : memref<!tpu.dma_semaphore, #tpu.memory_space<semaphore_mem>>)
        %dma_wait3A_433 = arith.constant 0 : i32
        %dma_wait3A_434 = tpu.memref_slice %arg2[%min3A_222, %dma_wait3A_433] : memref<4096x80xi32, #tpu.memory_space<hbm>> -> memref<1x80xi32, #tpu.memory_space<hbm>>
        %dma_wait3A_435 = tpu.memref_squeeze %dma_wait3A_434 : memref<1x80xi32, #tpu.memory_space<hbm>> -> memref<80xi32, #tpu.memory_space<hbm>>
        %dma_wait3A_436 = arith.constant 0 : i32
        %dma_wait3A_437 = tpu.memref_slice %arg2[%min3A_222, %dma_wait3A_436] : memref<4096x80xi32, #tpu.memory_space<hbm>> -> memref<1x80xi32, #tpu.memory_space<hbm>>
        %dma_wait3A_438 = tpu.memref_squeeze %dma_wait3A_437 : memref<1x80xi32, #tpu.memory_space<hbm>> -> memref<80xi32, #tpu.memory_space<hbm>>
        tpu.wait_dma2 semaphore(%run_scoped3A : memref<!tpu.dma_semaphore, #tpu.memory_space<semaphore_mem>>) src(%dma_wait3A_438 : memref<80xi32, #tpu.memory_space<hbm>>) dst(%arg6 : memref<80xi32, #tpu.memory_space<vmem>>)
        tpu.yield
      }) : () -> ()
      "tpu.region"() ({
        %run_scoped3A = tpu.sem_alloc : memref<!tpu.dma_semaphore, #tpu.memory_space<semaphore_mem>>
        %dma_start3A_427 = arith.constant 0 : i32
        %dma_start3A_428 = arith.constant 0 : i32
        %dma_start3A_429 = tpu.memref_slice %arg3[%min3A_222, %dma_start3A_427, %dma_start3A_428] : memref<4096x80x16xf32, #tpu.memory_space<hbm>> -> memref<1x80x16xf32, #tpu.memory_space<hbm>>
        %dma_start3A_430 = tpu.memref_squeeze %dma_start3A_429 : memref<1x80x16xf32, #tpu.memory_space<hbm>> -> memref<80x16xf32, #tpu.memory_space<hbm>>
        %dma_start3A_431 = arith.constant 0 : i32
        %dma_start3A_432 = arith.constant 0 : i32
        %dma_start3A_433 = tpu.memref_slice %arg3[%min3A_222, %dma_start3A_431, %dma_start3A_432] : memref<4096x80x16xf32, #tpu.memory_space<hbm>> -> memref<1x80x16xf32, #tpu.memory_space<hbm>>
        %dma_start3A_434 = tpu.memref_squeeze %dma_start3A_433 : memref<1x80x16xf32, #tpu.memory_space<hbm>> -> memref<80x16xf32, #tpu.memory_space<hbm>>
        tpu.enqueue_dma source(%dma_start3A_434 : memref<80x16xf32, #tpu.memory_space<hbm>>) target(%arg8 : memref<80x16xf32, #tpu.memory_space<vmem>>) target_semaphore(%run_scoped3A : memref<!tpu.dma_semaphore, #tpu.memory_space<semaphore_mem>>)
        %dma_wait3A_435 = arith.constant 0 : i32
        %dma_wait3A_436 = arith.constant 0 : i32
        %dma_wait3A_437 = tpu.memref_slice %arg3[%min3A_222, %dma_wait3A_435, %dma_wait3A_436] : memref<4096x80x16xf32, #tpu.memory_space<hbm>> -> memref<1x80x16xf32, #tpu.memory_space<hbm>>
        %dma_wait3A_438 = tpu.memref_squeeze %dma_wait3A_437 : memref<1x80x16xf32, #tpu.memory_space<hbm>> -> memref<80x16xf32, #tpu.memory_space<hbm>>
        %dma_wait3A_439 = arith.constant 0 : i32
        %dma_wait3A_440 = arith.constant 0 : i32
        %dma_wait3A_441 = tpu.memref_slice %arg3[%min3A_222, %dma_wait3A_439, %dma_wait3A_440] : memref<4096x80x16xf32, #tpu.memory_space<hbm>> -> memref<1x80x16xf32, #tpu.memory_space<hbm>>
        %dma_wait3A_442 = tpu.memref_squeeze %dma_wait3A_441 : memref<1x80x16xf32, #tpu.memory_space<hbm>> -> memref<80x16xf32, #tpu.memory_space<hbm>>
        tpu.wait_dma2 semaphore(%run_scoped3A : memref<!tpu.dma_semaphore, #tpu.memory_space<semaphore_mem>>) src(%dma_wait3A_442 : memref<80x16xf32, #tpu.memory_space<hbm>>) dst(%arg8 : memref<80x16xf32, #tpu.memory_space<vmem>>)
        tpu.yield
      }) : () -> ()
      %dma_start3A_223 = arith.constant 0 : i32
      %dma_start3A_224 = arith.constant 0 : i32
      %dma_start3A_225 = tpu.memref_slice %arg4[%dma_start3A_223, %dma_start3A_224] : memref<151936x512xf32, #tpu.memory_space<hbm>> -> memref<151936x512xf32, #tpu.memory_space<hbm>>
      tpu.enqueue_indirect_dma source(%dma_start3A_225 : memref<151936x512xf32, #tpu.memory_space<hbm>>) target(%arg10 : memref<80x512xf32, #tpu.memory_space<vmem>>) offsets(%arg6 : memref<80xi32, #tpu.memory_space<vmem>>) semaphore(%arg13 : memref<!tpu.dma_semaphore, #tpu.memory_space<semaphore_mem>>)
      %dma_wait3A_226 = arith.constant 0 : i32
      %dma_wait3A_227 = arith.constant 0 : i32
      %dma_wait3A_228 = tpu.memref_slice %arg4[%dma_wait3A_226, %dma_wait3A_227] : memref<151936x512xf32, #tpu.memory_space<hbm>> -> memref<151936x512xf32, #tpu.memory_space<hbm>>
      tpu.wait_indirect_dma semaphore(%arg14 : memref<!tpu.dma_semaphore, #tpu.memory_space<semaphore_mem>>) src(%dma_wait3A_228 : memref<151936x512xf32, #tpu.memory_space<hbm>>) dst(%arg11 : memref<80x512xf32, #tpu.memory_space<vmem>>)
      %broadcast_in_dim3A_229 = arith.constant 0.000000e+00 : f32
      %broadcast_in_dim3A_230 = vector.broadcast %broadcast_in_dim3A_229 : f32 to vector<16xf32>
      %broadcast_in_dim3A_231 = arith.constant 0.000000e+00 : f32
      %broadcast_in_dim3A_232 = vector.broadcast %broadcast_in_dim3A_231 : f32 to vector<16xf32>
      %broadcast_in_dim3A_233 = arith.constant 0.000000e+00 : f32
      %broadcast_in_dim3A_234 = vector.broadcast %broadcast_in_dim3A_233 : f32 to vector<16xf32>
      %broadcast_in_dim3A_235 = arith.constant 0.000000e+00 : f32
      %broadcast_in_dim3A_236 = vector.broadcast %broadcast_in_dim3A_235 : f32 to vector<16xf32>
      %broadcast_in_dim3A_237 = arith.constant 0.000000e+00 : f32
      %broadcast_in_dim3A_238 = vector.broadcast %broadcast_in_dim3A_237 : f32 to vector<16xf32>
      %broadcast_in_dim3A_239 = arith.constant 0.000000e+00 : f32
      %broadcast_in_dim3A_240 = vector.broadcast %broadcast_in_dim3A_239 : f32 to vector<16xf32>
      %broadcast_in_dim3A_241 = arith.constant 0.000000e+00 : f32
      %broadcast_in_dim3A_242 = vector.broadcast %broadcast_in_dim3A_241 : f32 to vector<16xf32>
      %broadcast_in_dim3A_243 = arith.constant 0.000000e+00 : f32
      %broadcast_in_dim3A_244 = vector.broadcast %broadcast_in_dim3A_243 : f32 to vector<16xf32>
      %broadcast_in_dim3A_245 = arith.constant 0.000000e+00 : f32
      %broadcast_in_dim3A_246 = vector.broadcast %broadcast_in_dim3A_245 : f32 to vector<16xf32>
      %broadcast_in_dim3A_247 = arith.constant 0.000000e+00 : f32
      %broadcast_in_dim3A_248 = vector.broadcast %broadcast_in_dim3A_247 : f32 to vector<16xf32>
      %broadcast_in_dim3A_249 = arith.constant 0.000000e+00 : f32
      %broadcast_in_dim3A_250 = vector.broadcast %broadcast_in_dim3A_249 : f32 to vector<16xf32>
      %broadcast_in_dim3A_251 = arith.constant 0.000000e+00 : f32
      %broadcast_in_dim3A_252 = vector.broadcast %broadcast_in_dim3A_251 : f32 to vector<16xf32>
      %broadcast_in_dim3A_253 = arith.constant 0.000000e+00 : f32
      %broadcast_in_dim3A_254 = vector.broadcast %broadcast_in_dim3A_253 : f32 to vector<16xf32>
      %broadcast_in_dim3A_255 = arith.constant 0.000000e+00 : f32
      %broadcast_in_dim3A_256 = vector.broadcast %broadcast_in_dim3A_255 : f32 to vector<16xf32>
      %broadcast_in_dim3A_257 = arith.constant 0.000000e+00 : f32
      %broadcast_in_dim3A_258 = vector.broadcast %broadcast_in_dim3A_257 : f32 to vector<16xf32>
      %broadcast_in_dim3A_259 = arith.constant 0.000000e+00 : f32
      %broadcast_in_dim3A_260 = vector.broadcast %broadcast_in_dim3A_259 : f32 to vector<16xf32>
      %broadcast_in_dim3A_261 = arith.constant 0.000000e+00 : f32
      %broadcast_in_dim3A_262 = vector.broadcast %broadcast_in_dim3A_261 : f32 to vector<16xf32>
      %broadcast_in_dim3A_263 = arith.constant 0.000000e+00 : f32
      %broadcast_in_dim3A_264 = vector.broadcast %broadcast_in_dim3A_263 : f32 to vector<16xf32>
      %broadcast_in_dim3A_265 = arith.constant 0.000000e+00 : f32
      %broadcast_in_dim3A_266 = vector.broadcast %broadcast_in_dim3A_265 : f32 to vector<16xf32>
      %broadcast_in_dim3A_267 = arith.constant 0.000000e+00 : f32
      %broadcast_in_dim3A_268 = vector.broadcast %broadcast_in_dim3A_267 : f32 to vector<16xf32>
      %broadcast_in_dim3A_269 = arith.constant 0.000000e+00 : f32
      %broadcast_in_dim3A_270 = vector.broadcast %broadcast_in_dim3A_269 : f32 to vector<16xf32>
      %broadcast_in_dim3A_271 = arith.constant 0.000000e+00 : f32
      %broadcast_in_dim3A_272 = vector.broadcast %broadcast_in_dim3A_271 : f32 to vector<16xf32>
      %broadcast_in_dim3A_273 = arith.constant 0.000000e+00 : f32
      %broadcast_in_dim3A_274 = vector.broadcast %broadcast_in_dim3A_273 : f32 to vector<16xf32>
      %broadcast_in_dim3A_275 = arith.constant 0.000000e+00 : f32
      %broadcast_in_dim3A_276 = vector.broadcast %broadcast_in_dim3A_275 : f32 to vector<16xf32>
      %broadcast_in_dim3A_277 = arith.constant 0.000000e+00 : f32
      %broadcast_in_dim3A_278 = vector.broadcast %broadcast_in_dim3A_277 : f32 to vector<16xf32>
      %broadcast_in_dim3A_279 = arith.constant 0.000000e+00 : f32
      %broadcast_in_dim3A_280 = vector.broadcast %broadcast_in_dim3A_279 : f32 to vector<16xf32>
      %broadcast_in_dim3A_281 = arith.constant 0.000000e+00 : f32
      %broadcast_in_dim3A_282 = vector.broadcast %broadcast_in_dim3A_281 : f32 to vector<16xf32>
      %broadcast_in_dim3A_283 = arith.constant 0.000000e+00 : f32
      %broadcast_in_dim3A_284 = vector.broadcast %broadcast_in_dim3A_283 : f32 to vector<16xf32>
      %broadcast_in_dim3A_285 = arith.constant 0.000000e+00 : f32
      %broadcast_in_dim3A_286 = vector.broadcast %broadcast_in_dim3A_285 : f32 to vector<16xf32>
      %broadcast_in_dim3A_287 = arith.constant 0.000000e+00 : f32
      %broadcast_in_dim3A_288 = vector.broadcast %broadcast_in_dim3A_287 : f32 to vector<16xf32>
      %broadcast_in_dim3A_289 = arith.constant 0.000000e+00 : f32
      %broadcast_in_dim3A_290 = vector.broadcast %broadcast_in_dim3A_289 : f32 to vector<16xf32>
      %broadcast_in_dim3A_291 = arith.constant 0.000000e+00 : f32
      %broadcast_in_dim3A_292 = vector.broadcast %broadcast_in_dim3A_291 : f32 to vector<16xf32>
      %scan3A_293 = arith.constant 0 : i32
      %scan3A_294 = arith.constant 80 : i32
      %scan3A_295 = arith.addi %scan3A_293, %scan3A_294 : i32
      %scan3A_296 = arith.constant 1 : i32
      %scan3A_297:32 = scf.for %scan3A_427 = %scan3A_293 to %scan3A_295 step %scan3A_296 iter_args(%scan3A_428 = %broadcast_in_dim3A_230, %scan3A_429 = %broadcast_in_dim3A_232, %scan3A_430 = %broadcast_in_dim3A_234, %scan3A_431 = %broadcast_in_dim3A_236, %scan3A_432 = %broadcast_in_dim3A_238, %scan3A_433 = %broadcast_in_dim3A_240, %scan3A_434 = %broadcast_in_dim3A_242, %scan3A_435 = %broadcast_in_dim3A_244, %scan3A_436 = %broadcast_in_dim3A_246, %scan3A_437 = %broadcast_in_dim3A_248, %scan3A_438 = %broadcast_in_dim3A_250, %scan3A_439 = %broadcast_in_dim3A_252, %scan3A_440 = %broadcast_in_dim3A_254, %scan3A_441 = %broadcast_in_dim3A_256, %scan3A_442 = %broadcast_in_dim3A_258, %scan3A_443 = %broadcast_in_dim3A_260, %scan3A_444 = %broadcast_in_dim3A_262, %scan3A_445 = %broadcast_in_dim3A_264, %scan3A_446 = %broadcast_in_dim3A_266, %scan3A_447 = %broadcast_in_dim3A_268, %scan3A_448 = %broadcast_in_dim3A_270, %scan3A_449 = %broadcast_in_dim3A_272, %scan3A_450 = %broadcast_in_dim3A_274, %scan3A_451 = %broadcast_in_dim3A_276, %scan3A_452 = %broadcast_in_dim3A_278, %scan3A_453 = %broadcast_in_dim3A_280, %scan3A_454 = %broadcast_in_dim3A_282, %scan3A_455 = %broadcast_in_dim3A_284, %scan3A_456 = %broadcast_in_dim3A_286, %scan3A_457 = %broadcast_in_dim3A_288, %scan3A_458 = %broadcast_in_dim3A_290, %scan3A_459 = %broadcast_in_dim3A_292) -> (vector<16xf32>, vector<16xf32>, vector<16xf32>, vector<16xf32>, vector<16xf32>, vector<16xf32>, vector<16xf32>, vector<16xf32>, vector<16xf32>, vector<16xf32>, vector<16xf32>, vector<16xf32>, vector<16xf32>, vector<16xf32>, vector<16xf32>, vector<16xf32>, vector<16xf32>, vector<16xf32>, vector<16xf32>, vector<16xf32>, vector<16xf32>, vector<16xf32>, vector<16xf32>, vector<16xf32>, vector<16xf32>, vector<16xf32>, vector<16xf32>, vector<16xf32>, vector<16xf32>, vector<16xf32>, vector<16xf32>, vector<16xf32>)  : i32 {
        %get3A = arith.index_cast %scan3A_427 : i32 to index
        %get3A_460 = arith.constant 0 : index
        %get3A_461 = tpu.vector_load %arg9[%get3A, %get3A_460] {strides = array<i32>} : memref<80x16xf32, #tpu.memory_space<vmem>>, vector<1x16xf32>,
        %get3A_462 = vector.shape_cast %get3A_461 : vector<1x16xf32> to vector<16xf32>
        %get3A_463 = arith.index_cast %scan3A_427 : i32 to index
        %get3A_464 = arith.constant 0 : index
        %get3A_465 = tpu.vector_load %arg11[%get3A_463, %get3A_464] {strides = array<i32>} : memref<80x512xf32, #tpu.memory_space<vmem>>, vector<1x16xf32>,
        %get3A_466 = vector.shape_cast %get3A_465 : vector<1x16xf32> to vector<16xf32>
        %mul3A_467 = arith.mulf %get3A_466, %get3A_462 : vector<16xf32>
        %add3A_468 = arith.addf %scan3A_428, %mul3A_467 : vector<16xf32>
        %get3A_469 = arith.index_cast %scan3A_427 : i32 to index
        %get3A_470 = arith.constant 16 : index
        %get3A_471 = tpu.vector_load %arg11[%get3A_469, %get3A_470] {strides = array<i32>} : memref<80x512xf32, #tpu.memory_space<vmem>>, vector<1x16xf32>,
        %get3A_472 = vector.shape_cast %get3A_471 : vector<1x16xf32> to vector<16xf32>
        %mul3A_473 = arith.mulf %get3A_472, %get3A_462 : vector<16xf32>
        %add3A_474 = arith.addf %scan3A_429, %mul3A_473 : vector<16xf32>
        %get3A_475 = arith.index_cast %scan3A_427 : i32 to index
        %get3A_476 = arith.constant 32 : index
        %get3A_477 = tpu.vector_load %arg11[%get3A_475, %get3A_476] {strides = array<i32>} : memref<80x512xf32, #tpu.memory_space<vmem>>, vector<1x16xf32>,
        %get3A_478 = vector.shape_cast %get3A_477 : vector<1x16xf32> to vector<16xf32>
        %mul3A_479 = arith.mulf %get3A_478, %get3A_462 : vector<16xf32>
        %add3A_480 = arith.addf %scan3A_430, %mul3A_479 : vector<16xf32>
        %get3A_481 = arith.index_cast %scan3A_427 : i32 to index
        %get3A_482 = arith.constant 48 : index
        %get3A_483 = tpu.vector_load %arg11[%get3A_481, %get3A_482] {strides = array<i32>} : memref<80x512xf32, #tpu.memory_space<vmem>>, vector<1x16xf32>,
        %get3A_484 = vector.shape_cast %get3A_483 : vector<1x16xf32> to vector<16xf32>
        %mul3A_485 = arith.mulf %get3A_484, %get3A_462 : vector<16xf32>
        %add3A_486 = arith.addf %scan3A_431, %mul3A_485 : vector<16xf32>
        %get3A_487 = arith.index_cast %scan3A_427 : i32 to index
        %get3A_488 = arith.constant 64 : index
        %get3A_489 = tpu.vector_load %arg11[%get3A_487, %get3A_488] {strides = array<i32>} : memref<80x512xf32, #tpu.memory_space<vmem>>, vector<1x16xf32>,
        %get3A_490 = vector.shape_cast %get3A_489 : vector<1x16xf32> to vector<16xf32>
        %mul3A_491 = arith.mulf %get3A_490, %get3A_462 : vector<16xf32>
        %add3A_492 = arith.addf %scan3A_432, %mul3A_491 : vector<16xf32>
        %get3A_493 = arith.index_cast %scan3A_427 : i32 to index
        %get3A_494 = arith.constant 80 : index
        %get3A_495 = tpu.vector_load %arg11[%get3A_493, %get3A_494] {strides = array<i32>} : memref<80x512xf32, #tpu.memory_space<vmem>>, vector<1x16xf32>,
        %get3A_496 = vector.shape_cast %get3A_495 : vector<1x16xf32> to vector<16xf32>
        %mul3A_497 = arith.mulf %get3A_496, %get3A_462 : vector<16xf32>
        %add3A_498 = arith.addf %scan3A_433, %mul3A_497 : vector<16xf32>
        %get3A_499 = arith.index_cast %scan3A_427 : i32 to index
        %get3A_500 = arith.constant 96 : index
        %get3A_501 = tpu.vector_load %arg11[%get3A_499, %get3A_500] {strides = array<i32>} : memref<80x512xf32, #tpu.memory_space<vmem>>, vector<1x16xf32>,
        %get3A_502 = vector.shape_cast %get3A_501 : vector<1x16xf32> to vector<16xf32>
        %mul3A_503 = arith.mulf %get3A_502, %get3A_462 : vector<16xf32>
        %add3A_504 = arith.addf %scan3A_434, %mul3A_503 : vector<16xf32>
        %get3A_505 = arith.index_cast %scan3A_427 : i32 to index
        %get3A_506 = arith.constant 112 : index
        %get3A_507 = tpu.vector_load %arg11[%get3A_505, %get3A_506] {strides = array<i32>} : memref<80x512xf32, #tpu.memory_space<vmem>>, vector<1x16xf32>,
        %get3A_508 = vector.shape_cast %get3A_507 : vector<1x16xf32> to vector<16xf32>
        %mul3A_509 = arith.mulf %get3A_508, %get3A_462 : vector<16xf32>
        %add3A_510 = arith.addf %scan3A_435, %mul3A_509 : vector<16xf32>
        %get3A_511 = arith.index_cast %scan3A_427 : i32 to index
        %get3A_512 = arith.constant 128 : index
        %get3A_513 = tpu.vector_load %arg11[%get3A_511, %get3A_512] {strides = array<i32>} : memref<80x512xf32, #tpu.memory_space<vmem>>, vector<1x16xf32>,
        %get3A_514 = vector.shape_cast %get3A_513 : vector<1x16xf32> to vector<16xf32>
        %mul3A_515 = arith.mulf %get3A_514, %get3A_462 : vector<16xf32>
        %add3A_516 = arith.addf %scan3A_436, %mul3A_515 : vector<16xf32>
        %get3A_517 = arith.index_cast %scan3A_427 : i32 to index
        %get3A_518 = arith.constant 144 : index
        %get3A_519 = tpu.vector_load %arg11[%get3A_517, %get3A_518] {strides = array<i32>} : memref<80x512xf32, #tpu.memory_space<vmem>>, vector<1x16xf32>,
        %get3A_520 = vector.shape_cast %get3A_519 : vector<1x16xf32> to vector<16xf32>
        %mul3A_521 = arith.mulf %get3A_520, %get3A_462 : vector<16xf32>
        %add3A_522 = arith.addf %scan3A_437, %mul3A_521 : vector<16xf32>
        %get3A_523 = arith.index_cast %scan3A_427 : i32 to index
        %get3A_524 = arith.constant 160 : index
        %get3A_525 = tpu.vector_load %arg11[%get3A_523, %get3A_524] {strides = array<i32>} : memref<80x512xf32, #tpu.memory_space<vmem>>, vector<1x16xf32>,
        %get3A_526 = vector.shape_cast %get3A_525 : vector<1x16xf32> to vector<16xf32>
        %mul3A_527 = arith.mulf %get3A_526, %get3A_462 : vector<16xf32>
        %add3A_528 = arith.addf %scan3A_438, %mul3A_527 : vector<16xf32>
        %get3A_529 = arith.index_cast %scan3A_427 : i32 to index
        %get3A_530 = arith.constant 176 : index
        %get3A_531 = tpu.vector_load %arg11[%get3A_529, %get3A_530] {strides = array<i32>} : memref<80x512xf32, #tpu.memory_space<vmem>>, vector<1x16xf32>,
        %get3A_532 = vector.shape_cast %get3A_531 : vector<1x16xf32> to vector<16xf32>
        %mul3A_533 = arith.mulf %get3A_532, %get3A_462 : vector<16xf32>
        %add3A_534 = arith.addf %scan3A_439, %mul3A_533 : vector<16xf32>
        %get3A_535 = arith.index_cast %scan3A_427 : i32 to index
        %get3A_536 = arith.constant 192 : index
        %get3A_537 = tpu.vector_load %arg11[%get3A_535, %get3A_536] {strides = array<i32>} : memref<80x512xf32, #tpu.memory_space<vmem>>, vector<1x16xf32>,
        %get3A_538 = vector.shape_cast %get3A_537 : vector<1x16xf32> to vector<16xf32>
        %mul3A_539 = arith.mulf %get3A_538, %get3A_462 : vector<16xf32>
        %add3A_540 = arith.addf %scan3A_440, %mul3A_539 : vector<16xf32>
        %get3A_541 = arith.index_cast %scan3A_427 : i32 to index
        %get3A_542 = arith.constant 208 : index
        %get3A_543 = tpu.vector_load %arg11[%get3A_541, %get3A_542] {strides = array<i32>} : memref<80x512xf32, #tpu.memory_space<vmem>>, vector<1x16xf32>,
        %get3A_544 = vector.shape_cast %get3A_543 : vector<1x16xf32> to vector<16xf32>
        %mul3A_545 = arith.mulf %get3A_544, %get3A_462 : vector<16xf32>
        %add3A_546 = arith.addf %scan3A_441, %mul3A_545 : vector<16xf32>
        %get3A_547 = arith.index_cast %scan3A_427 : i32 to index
        %get3A_548 = arith.constant 224 : index
        %get3A_549 = tpu.vector_load %arg11[%get3A_547, %get3A_548] {strides = array<i32>} : memref<80x512xf32, #tpu.memory_space<vmem>>, vector<1x16xf32>,
        %get3A_550 = vector.shape_cast %get3A_549 : vector<1x16xf32> to vector<16xf32>
        %mul3A_551 = arith.mulf %get3A_550, %get3A_462 : vector<16xf32>
        %add3A_552 = arith.addf %scan3A_442, %mul3A_551 : vector<16xf32>
        %get3A_553 = arith.index_cast %scan3A_427 : i32 to index
        %get3A_554 = arith.constant 240 : index
        %get3A_555 = tpu.vector_load %arg11[%get3A_553, %get3A_554] {strides = array<i32>} : memref<80x512xf32, #tpu.memory_space<vmem>>, vector<1x16xf32>,
        %get3A_556 = vector.shape_cast %get3A_555 : vector<1x16xf32> to vector<16xf32>
        %mul3A_557 = arith.mulf %get3A_556, %get3A_462 : vector<16xf32>
        %add3A_558 = arith.addf %scan3A_443, %mul3A_557 : vector<16xf32>
        %get3A_559 = arith.index_cast %scan3A_427 : i32 to index
        %get3A_560 = arith.constant 256 : index
        %get3A_561 = tpu.vector_load %arg11[%get3A_559, %get3A_560] {strides = array<i32>} : memref<80x512xf32, #tpu.memory_space<vmem>>, vector<1x16xf32>,
        %get3A_562 = vector.shape_cast %get3A_561 : vector<1x16xf32> to vector<16xf32>
        %mul3A_563 = arith.mulf %get3A_562, %get3A_462 : vector<16xf32>
        %add3A_564 = arith.addf %scan3A_444, %mul3A_563 : vector<16xf32>
        %get3A_565 = arith.index_cast %scan3A_427 : i32 to index
        %get3A_566 = arith.constant 272 : index
        %get3A_567 = tpu.vector_load %arg11[%get3A_565, %get3A_566] {strides = array<i32>} : memref<80x512xf32, #tpu.memory_space<vmem>>, vector<1x16xf32>,
        %get3A_568 = vector.shape_cast %get3A_567 : vector<1x16xf32> to vector<16xf32>
        %mul3A_569 = arith.mulf %get3A_568, %get3A_462 : vector<16xf32>
        %add3A_570 = arith.addf %scan3A_445, %mul3A_569 : vector<16xf32>
        %get3A_571 = arith.index_cast %scan3A_427 : i32 to index
        %get3A_572 = arith.constant 288 : index
        %get3A_573 = tpu.vector_load %arg11[%get3A_571, %get3A_572] {strides = array<i32>} : memref<80x512xf32, #tpu.memory_space<vmem>>, vector<1x16xf32>,
        %get3A_574 = vector.shape_cast %get3A_573 : vector<1x16xf32> to vector<16xf32>
        %mul3A_575 = arith.mulf %get3A_574, %get3A_462 : vector<16xf32>
        %add3A_576 = arith.addf %scan3A_446, %mul3A_575 : vector<16xf32>
        %get3A_577 = arith.index_cast %scan3A_427 : i32 to index
        %get3A_578 = arith.constant 304 : index
        %get3A_579 = tpu.vector_load %arg11[%get3A_577, %get3A_578] {strides = array<i32>} : memref<80x512xf32, #tpu.memory_space<vmem>>, vector<1x16xf32>,
        %get3A_580 = vector.shape_cast %get3A_579 : vector<1x16xf32> to vector<16xf32>
        %mul3A_581 = arith.mulf %get3A_580, %get3A_462 : vector<16xf32>
        %add3A_582 = arith.addf %scan3A_447, %mul3A_581 : vector<16xf32>
        %get3A_583 = arith.index_cast %scan3A_427 : i32 to index
        %get3A_584 = arith.constant 320 : index
        %get3A_585 = tpu.vector_load %arg11[%get3A_583, %get3A_584] {strides = array<i32>} : memref<80x512xf32, #tpu.memory_space<vmem>>, vector<1x16xf32>,
        %get3A_586 = vector.shape_cast %get3A_585 : vector<1x16xf32> to vector<16xf32>
        %mul3A_587 = arith.mulf %get3A_586, %get3A_462 : vector<16xf32>
        %add3A_588 = arith.addf %scan3A_448, %mul3A_587 : vector<16xf32>
        %get3A_589 = arith.index_cast %scan3A_427 : i32 to index
        %get3A_590 = arith.constant 336 : index
        %get3A_591 = tpu.vector_load %arg11[%get3A_589, %get3A_590] {strides = array<i32>} : memref<80x512xf32, #tpu.memory_space<vmem>>, vector<1x16xf32>,
        %get3A_592 = vector.shape_cast %get3A_591 : vector<1x16xf32> to vector<16xf32>
        %mul3A_593 = arith.mulf %get3A_592, %get3A_462 : vector<16xf32>
        %add3A_594 = arith.addf %scan3A_449, %mul3A_593 : vector<16xf32>
        %get3A_595 = arith.index_cast %scan3A_427 : i32 to index
        %get3A_596 = arith.constant 352 : index
        %get3A_597 = tpu.vector_load %arg11[%get3A_595, %get3A_596] {strides = array<i32>} : memref<80x512xf32, #tpu.memory_space<vmem>>, vector<1x16xf32>,
        %get3A_598 = vector.shape_cast %get3A_597 : vector<1x16xf32> to vector<16xf32>
        %mul3A_599 = arith.mulf %get3A_598, %get3A_462 : vector<16xf32>
        %add3A_600 = arith.addf %scan3A_450, %mul3A_599 : vector<16xf32>
        %get3A_601 = arith.index_cast %scan3A_427 : i32 to index
        %get3A_602 = arith.constant 368 : index
        %get3A_603 = tpu.vector_load %arg11[%get3A_601, %get3A_602] {strides = array<i32>} : memref<80x512xf32, #tpu.memory_space<vmem>>, vector<1x16xf32>,
        %get3A_604 = vector.shape_cast %get3A_603 : vector<1x16xf32> to vector<16xf32>
        %mul3A_605 = arith.mulf %get3A_604, %get3A_462 : vector<16xf32>
        %add3A_606 = arith.addf %scan3A_451, %mul3A_605 : vector<16xf32>
        %get3A_607 = arith.index_cast %scan3A_427 : i32 to index
        %get3A_608 = arith.constant 384 : index
        %get3A_609 = tpu.vector_load %arg11[%get3A_607, %get3A_608] {strides = array<i32>} : memref<80x512xf32, #tpu.memory_space<vmem>>, vector<1x16xf32>,
        %get3A_610 = vector.shape_cast %get3A_609 : vector<1x16xf32> to vector<16xf32>
        %mul3A_611 = arith.mulf %get3A_610, %get3A_462 : vector<16xf32>
        %add3A_612 = arith.addf %scan3A_452, %mul3A_611 : vector<16xf32>
        %get3A_613 = arith.index_cast %scan3A_427 : i32 to index
        %get3A_614 = arith.constant 400 : index
        %get3A_615 = tpu.vector_load %arg11[%get3A_613, %get3A_614] {strides = array<i32>} : memref<80x512xf32, #tpu.memory_space<vmem>>, vector<1x16xf32>,
        %get3A_616 = vector.shape_cast %get3A_615 : vector<1x16xf32> to vector<16xf32>
        %mul3A_617 = arith.mulf %get3A_616, %get3A_462 : vector<16xf32>
        %add3A_618 = arith.addf %scan3A_453, %mul3A_617 : vector<16xf32>
        %get3A_619 = arith.index_cast %scan3A_427 : i32 to index
        %get3A_620 = arith.constant 416 : index
        %get3A_621 = tpu.vector_load %arg11[%get3A_619, %get3A_620] {strides = array<i32>} : memref<80x512xf32, #tpu.memory_space<vmem>>, vector<1x16xf32>,
        %get3A_622 = vector.shape_cast %get3A_621 : vector<1x16xf32> to vector<16xf32>
        %mul3A_623 = arith.mulf %get3A_622, %get3A_462 : vector<16xf32>
        %add3A_624 = arith.addf %scan3A_454, %mul3A_623 : vector<16xf32>
        %get3A_625 = arith.index_cast %scan3A_427 : i32 to index
        %get3A_626 = arith.constant 432 : index
        %get3A_627 = tpu.vector_load %arg11[%get3A_625, %get3A_626] {strides = array<i32>} : memref<80x512xf32, #tpu.memory_space<vmem>>, vector<1x16xf32>,
        %get3A_628 = vector.shape_cast %get3A_627 : vector<1x16xf32> to vector<16xf32>
        %mul3A_629 = arith.mulf %get3A_628, %get3A_462 : vector<16xf32>
        %add3A_630 = arith.addf %scan3A_455, %mul3A_629 : vector<16xf32>
        %get3A_631 = arith.index_cast %scan3A_427 : i32 to index
        %get3A_632 = arith.constant 448 : index
        %get3A_633 = tpu.vector_load %arg11[%get3A_631, %get3A_632] {strides = array<i32>} : memref<80x512xf32, #tpu.memory_space<vmem>>, vector<1x16xf32>,
        %get3A_634 = vector.shape_cast %get3A_633 : vector<1x16xf32> to vector<16xf32>
        %mul3A_635 = arith.mulf %get3A_634, %get3A_462 : vector<16xf32>
        %add3A_636 = arith.addf %scan3A_456, %mul3A_635 : vector<16xf32>
        %get3A_637 = arith.index_cast %scan3A_427 : i32 to index
        %get3A_638 = arith.constant 464 : index
        %get3A_639 = tpu.vector_load %arg11[%get3A_637, %get3A_638] {strides = array<i32>} : memref<80x512xf32, #tpu.memory_space<vmem>>, vector<1x16xf32>,
        %get3A_640 = vector.shape_cast %get3A_639 : vector<1x16xf32> to vector<16xf32>
        %mul3A_641 = arith.mulf %get3A_640, %get3A_462 : vector<16xf32>
        %add3A_642 = arith.addf %scan3A_457, %mul3A_641 : vector<16xf32>
        %get3A_643 = arith.index_cast %scan3A_427 : i32 to index
        %get3A_644 = arith.constant 480 : index
        %get3A_645 = tpu.vector_load %arg11[%get3A_643, %get3A_644] {strides = array<i32>} : memref<80x512xf32, #tpu.memory_space<vmem>>, vector<1x16xf32>,
        %get3A_646 = vector.shape_cast %get3A_645 : vector<1x16xf32> to vector<16xf32>
        %mul3A_647 = arith.mulf %get3A_646, %get3A_462 : vector<16xf32>
        %add3A_648 = arith.addf %scan3A_458, %mul3A_647 : vector<16xf32>
        %get3A_649 = arith.index_cast %scan3A_427 : i32 to index
        %get3A_650 = arith.constant 496 : index
        %get3A_651 = tpu.vector_load %arg11[%get3A_649, %get3A_650] {strides = array<i32>} : memref<80x512xf32, #tpu.memory_space<vmem>>, vector<1x16xf32>,
        %get3A_652 = vector.shape_cast %get3A_651 : vector<1x16xf32> to vector<16xf32>
        %mul3A_653 = arith.mulf %get3A_652, %get3A_462 : vector<16xf32>
        %add3A_654 = arith.addf %scan3A_459, %mul3A_653 : vector<16xf32>
        scf.yield %add3A_468, %add3A_474, %add3A_480, %add3A_486, %add3A_492, %add3A_498, %add3A_504, %add3A_510, %add3A_516, %add3A_522, %add3A_528, %add3A_534, %add3A_540, %add3A_546, %add3A_552, %add3A_558, %add3A_564, %add3A_570, %add3A_576, %add3A_582, %add3A_588, %add3A_594, %add3A_600, %add3A_606, %add3A_612, %add3A_618, %add3A_624, %add3A_630, %add3A_636, %add3A_642, %add3A_648, %add3A_654 : vector<16xf32>, vector<16xf32>, vector<16xf32>, vector<16xf32>, vector<16xf32>, vector<16xf32>, vector<16xf32>, vector<16xf32>, vector<16xf32>, vector<16xf32>, vector<16xf32>, vector<16xf32>, vector<16xf32>, vector<16xf32>, vector<16xf32>, vector<16xf32>, vector<16xf32>, vector<16xf32>, vector<16xf32>, vector<16xf32>, vector<16xf32>, vector<16xf32>, vector<16xf32>, vector<16xf32>, vector<16xf32>, vector<16xf32>, vector<16xf32>, vector<16xf32>, vector<16xf32>, vector<16xf32>, vector<16xf32>, vector<16xf32>
      }
      %scan3A_298 = arith.constant 80 : i32
      %swap3A_299 = arith.constant 0 : index
      %swap3A_300 = tpu.vector_load %arg12[%swap3A_299] {strides = array<i32>} : memref<512xf32, #tpu.memory_space<vmem>>, vector<16xf32>,
      %swap3A_301 = vector.shape_cast %swap3A_300 : vector<16xf32> to vector<16xf32>
      %swap3A_302 = vector.shape_cast %scan3A_297#0 : vector<16xf32> to vector<16xf32>
      tpu.vector_store %arg12[%swap3A_299], %swap3A_302 {strides = array<i32>} : memref<512xf32, #tpu.memory_space<vmem>>, vector<16xf32>,
      %swap3A_303 = arith.constant 16 : index
      %swap3A_304 = tpu.vector_load %arg12[%swap3A_303] {strides = array<i32>} : memref<512xf32, #tpu.memory_space<vmem>>, vector<16xf32>,
      %swap3A_305 = vector.shape_cast %swap3A_304 : vector<16xf32> to vector<16xf32>
      %swap3A_306 = vector.shape_cast %scan3A_297#1 : vector<16xf32> to vector<16xf32>
      tpu.vector_store %arg12[%swap3A_303], %swap3A_306 {strides = array<i32>} : memref<512xf32, #tpu.memory_space<vmem>>, vector<16xf32>,
      %swap3A_307 = arith.constant 32 : index
      %swap3A_308 = tpu.vector_load %arg12[%swap3A_307] {strides = array<i32>} : memref<512xf32, #tpu.memory_space<vmem>>, vector<16xf32>,
      %swap3A_309 = vector.shape_cast %swap3A_308 : vector<16xf32> to vector<16xf32>
      %swap3A_310 = vector.shape_cast %scan3A_297#2 : vector<16xf32> to vector<16xf32>
      tpu.vector_store %arg12[%swap3A_307], %swap3A_310 {strides = array<i32>} : memref<512xf32, #tpu.memory_space<vmem>>, vector<16xf32>,
      %swap3A_311 = arith.constant 48 : index
      %swap3A_312 = tpu.vector_load %arg12[%swap3A_311] {strides = array<i32>} : memref<512xf32, #tpu.memory_space<vmem>>, vector<16xf32>,
      %swap3A_313 = vector.shape_cast %swap3A_312 : vector<16xf32> to vector<16xf32>
      %swap3A_314 = vector.shape_cast %scan3A_297#3 : vector<16xf32> to vector<16xf32>
      tpu.vector_store %arg12[%swap3A_311], %swap3A_314 {strides = array<i32>} : memref<512xf32, #tpu.memory_space<vmem>>, vector<16xf32>,
      %swap3A_315 = arith.constant 64 : index
      %swap3A_316 = tpu.vector_load %arg12[%swap3A_315] {strides = array<i32>} : memref<512xf32, #tpu.memory_space<vmem>>, vector<16xf32>,
      %swap3A_317 = vector.shape_cast %swap3A_316 : vector<16xf32> to vector<16xf32>
      %swap3A_318 = vector.shape_cast %scan3A_297#4 : vector<16xf32> to vector<16xf32>
      tpu.vector_store %arg12[%swap3A_315], %swap3A_318 {strides = array<i32>} : memref<512xf32, #tpu.memory_space<vmem>>, vector<16xf32>,
      %swap3A_319 = arith.constant 80 : index
      %swap3A_320 = tpu.vector_load %arg12[%swap3A_319] {strides = array<i32>} : memref<512xf32, #tpu.memory_space<vmem>>, vector<16xf32>,
      %swap3A_321 = vector.shape_cast %swap3A_320 : vector<16xf32> to vector<16xf32>
      %swap3A_322 = vector.shape_cast %scan3A_297#5 : vector<16xf32> to vector<16xf32>
      tpu.vector_store %arg12[%swap3A_319], %swap3A_322 {strides = array<i32>} : memref<512xf32, #tpu.memory_space<vmem>>, vector<16xf32>,
      %swap3A_323 = arith.constant 96 : index
      %swap3A_324 = tpu.vector_load %arg12[%swap3A_323] {strides = array<i32>} : memref<512xf32, #tpu.memory_space<vmem>>, vector<16xf32>,
      %swap3A_325 = vector.shape_cast %swap3A_324 : vector<16xf32> to vector<16xf32>
      %swap3A_326 = vector.shape_cast %scan3A_297#6 : vector<16xf32> to vector<16xf32>
      tpu.vector_store %arg12[%swap3A_323], %swap3A_326 {strides = array<i32>} : memref<512xf32, #tpu.memory_space<vmem>>, vector<16xf32>,
      %swap3A_327 = arith.constant 112 : index
      %swap3A_328 = tpu.vector_load %arg12[%swap3A_327] {strides = array<i32>} : memref<512xf32, #tpu.memory_space<vmem>>, vector<16xf32>,
      %swap3A_329 = vector.shape_cast %swap3A_328 : vector<16xf32> to vector<16xf32>
      %swap3A_330 = vector.shape_cast %scan3A_297#7 : vector<16xf32> to vector<16xf32>
      tpu.vector_store %arg12[%swap3A_327], %swap3A_330 {strides = array<i32>} : memref<512xf32, #tpu.memory_space<vmem>>, vector<16xf32>,
      %swap3A_331 = arith.constant 128 : index
      %swap3A_332 = tpu.vector_load %arg12[%swap3A_331] {strides = array<i32>} : memref<512xf32, #tpu.memory_space<vmem>>, vector<16xf32>,
      %swap3A_333 = vector.shape_cast %swap3A_332 : vector<16xf32> to vector<16xf32>
      %swap3A_334 = vector.shape_cast %scan3A_297#8 : vector<16xf32> to vector<16xf32>
      tpu.vector_store %arg12[%swap3A_331], %swap3A_334 {strides = array<i32>} : memref<512xf32, #tpu.memory_space<vmem>>, vector<16xf32>,
      %swap3A_335 = arith.constant 144 : index
      %swap3A_336 = tpu.vector_load %arg12[%swap3A_335] {strides = array<i32>} : memref<512xf32, #tpu.memory_space<vmem>>, vector<16xf32>,
      %swap3A_337 = vector.shape_cast %swap3A_336 : vector<16xf32> to vector<16xf32>
      %swap3A_338 = vector.shape_cast %scan3A_297#9 : vector<16xf32> to vector<16xf32>
      tpu.vector_store %arg12[%swap3A_335], %swap3A_338 {strides = array<i32>} : memref<512xf32, #tpu.memory_space<vmem>>, vector<16xf32>,
      %swap3A_339 = arith.constant 160 : index
      %swap3A_340 = tpu.vector_load %arg12[%swap3A_339] {strides = array<i32>} : memref<512xf32, #tpu.memory_space<vmem>>, vector<16xf32>,
      %swap3A_341 = vector.shape_cast %swap3A_340 : vector<16xf32> to vector<16xf32>
      %swap3A_342 = vector.shape_cast %scan3A_297#10 : vector<16xf32> to vector<16xf32>
      tpu.vector_store %arg12[%swap3A_339], %swap3A_342 {strides = array<i32>} : memref<512xf32, #tpu.memory_space<vmem>>, vector<16xf32>,
      %swap3A_343 = arith.constant 176 : index
      %swap3A_344 = tpu.vector_load %arg12[%swap3A_343] {strides = array<i32>} : memref<512xf32, #tpu.memory_space<vmem>>, vector<16xf32>,
      %swap3A_345 = vector.shape_cast %swap3A_344 : vector<16xf32> to vector<16xf32>
      %swap3A_346 = vector.shape_cast %scan3A_297#11 : vector<16xf32> to vector<16xf32>
      tpu.vector_store %arg12[%swap3A_343], %swap3A_346 {strides = array<i32>} : memref<512xf32, #tpu.memory_space<vmem>>, vector<16xf32>,
      %swap3A_347 = arith.constant 192 : index
      %swap3A_348 = tpu.vector_load %arg12[%swap3A_347] {strides = array<i32>} : memref<512xf32, #tpu.memory_space<vmem>>, vector<16xf32>,
      %swap3A_349 = vector.shape_cast %swap3A_348 : vector<16xf32> to vector<16xf32>
      %swap3A_350 = vector.shape_cast %scan3A_297#12 : vector<16xf32> to vector<16xf32>
      tpu.vector_store %arg12[%swap3A_347], %swap3A_350 {strides = array<i32>} : memref<512xf32, #tpu.memory_space<vmem>>, vector<16xf32>,
      %swap3A_351 = arith.constant 208 : index
      %swap3A_352 = tpu.vector_load %arg12[%swap3A_351] {strides = array<i32>} : memref<512xf32, #tpu.memory_space<vmem>>, vector<16xf32>,
      %swap3A_353 = vector.shape_cast %swap3A_352 : vector<16xf32> to vector<16xf32>
      %swap3A_354 = vector.shape_cast %scan3A_297#13 : vector<16xf32> to vector<16xf32>
      tpu.vector_store %arg12[%swap3A_351], %swap3A_354 {strides = array<i32>} : memref<512xf32, #tpu.memory_space<vmem>>, vector<16xf32>,
      %swap3A_355 = arith.constant 224 : index
      %swap3A_356 = tpu.vector_load %arg12[%swap3A_355] {strides = array<i32>} : memref<512xf32, #tpu.memory_space<vmem>>, vector<16xf32>,
      %swap3A_357 = vector.shape_cast %swap3A_356 : vector<16xf32> to vector<16xf32>
      %swap3A_358 = vector.shape_cast %scan3A_297#14 : vector<16xf32> to vector<16xf32>
      tpu.vector_store %arg12[%swap3A_355], %swap3A_358 {strides = array<i32>} : memref<512xf32, #tpu.memory_space<vmem>>, vector<16xf32>,
      %swap3A_359 = arith.constant 240 : index
      %swap3A_360 = tpu.vector_load %arg12[%swap3A_359] {strides = array<i32>} : memref<512xf32, #tpu.memory_space<vmem>>, vector<16xf32>,
      %swap3A_361 = vector.shape_cast %swap3A_360 : vector<16xf32> to vector<16xf32>
      %swap3A_362 = vector.shape_cast %scan3A_297#15 : vector<16xf32> to vector<16xf32>
      tpu.vector_store %arg12[%swap3A_359], %swap3A_362 {strides = array<i32>} : memref<512xf32, #tpu.memory_space<vmem>>, vector<16xf32>,
      %swap3A_363 = arith.constant 256 : index
      %swap3A_364 = tpu.vector_load %arg12[%swap3A_363] {strides = array<i32>} : memref<512xf32, #tpu.memory_space<vmem>>, vector<16xf32>,
      %swap3A_365 = vector.shape_cast %swap3A_364 : vector<16xf32> to vector<16xf32>
      %swap3A_366 = vector.shape_cast %scan3A_297#16 : vector<16xf32> to vector<16xf32>
      tpu.vector_store %arg12[%swap3A_363], %swap3A_366 {strides = array<i32>} : memref<512xf32, #tpu.memory_space<vmem>>, vector<16xf32>,
      %swap3A_367 = arith.constant 272 : index
      %swap3A_368 = tpu.vector_load %arg12[%swap3A_367] {strides = array<i32>} : memref<512xf32, #tpu.memory_space<vmem>>, vector<16xf32>,
      %swap3A_369 = vector.shape_cast %swap3A_368 : vector<16xf32> to vector<16xf32>
      %swap3A_370 = vector.shape_cast %scan3A_297#17 : vector<16xf32> to vector<16xf32>
      tpu.vector_store %arg12[%swap3A_367], %swap3A_370 {strides = array<i32>} : memref<512xf32, #tpu.memory_space<vmem>>, vector<16xf32>,
      %swap3A_371 = arith.constant 288 : index
      %swap3A_372 = tpu.vector_load %arg12[%swap3A_371] {strides = array<i32>} : memref<512xf32, #tpu.memory_space<vmem>>, vector<16xf32>,
      %swap3A_373 = vector.shape_cast %swap3A_372 : vector<16xf32> to vector<16xf32>
      %swap3A_374 = vector.shape_cast %scan3A_297#18 : vector<16xf32> to vector<16xf32>
      tpu.vector_store %arg12[%swap3A_371], %swap3A_374 {strides = array<i32>} : memref<512xf32, #tpu.memory_space<vmem>>, vector<16xf32>,
      %swap3A_375 = arith.constant 304 : index
      %swap3A_376 = tpu.vector_load %arg12[%swap3A_375] {strides = array<i32>} : memref<512xf32, #tpu.memory_space<vmem>>, vector<16xf32>,
      %swap3A_377 = vector.shape_cast %swap3A_376 : vector<16xf32> to vector<16xf32>
      %swap3A_378 = vector.shape_cast %scan3A_297#19 : vector<16xf32> to vector<16xf32>
      tpu.vector_store %arg12[%swap3A_375], %swap3A_378 {strides = array<i32>} : memref<512xf32, #tpu.memory_space<vmem>>, vector<16xf32>,
      %swap3A_379 = arith.constant 320 : index
      %swap3A_380 = tpu.vector_load %arg12[%swap3A_379] {strides = array<i32>} : memref<512xf32, #tpu.memory_space<vmem>>, vector<16xf32>,
      %swap3A_381 = vector.shape_cast %swap3A_380 : vector<16xf32> to vector<16xf32>
      %swap3A_382 = vector.shape_cast %scan3A_297#20 : vector<16xf32> to vector<16xf32>
      tpu.vector_store %arg12[%swap3A_379], %swap3A_382 {strides = array<i32>} : memref<512xf32, #tpu.memory_space<vmem>>, vector<16xf32>,
      %swap3A_383 = arith.constant 336 : index
      %swap3A_384 = tpu.vector_load %arg12[%swap3A_383] {strides = array<i32>} : memref<512xf32, #tpu.memory_space<vmem>>, vector<16xf32>,
      %swap3A_385 = vector.shape_cast %swap3A_384 : vector<16xf32> to vector<16xf32>
      %swap3A_386 = vector.shape_cast %scan3A_297#21 : vector<16xf32> to vector<16xf32>
      tpu.vector_store %arg12[%swap3A_383], %swap3A_386 {strides = array<i32>} : memref<512xf32, #tpu.memory_space<vmem>>, vector<16xf32>,
      %swap3A_387 = arith.constant 352 : index
      %swap3A_388 = tpu.vector_load %arg12[%swap3A_387] {strides = array<i32>} : memref<512xf32, #tpu.memory_space<vmem>>, vector<16xf32>,
      %swap3A_389 = vector.shape_cast %swap3A_388 : vector<16xf32> to vector<16xf32>
      %swap3A_390 = vector.shape_cast %scan3A_297#22 : vector<16xf32> to vector<16xf32>
      tpu.vector_store %arg12[%swap3A_387], %swap3A_390 {strides = array<i32>} : memref<512xf32, #tpu.memory_space<vmem>>, vector<16xf32>,
      %swap3A_391 = arith.constant 368 : index
      %swap3A_392 = tpu.vector_load %arg12[%swap3A_391] {strides = array<i32>} : memref<512xf32, #tpu.memory_space<vmem>>, vector<16xf32>,
      %swap3A_393 = vector.shape_cast %swap3A_392 : vector<16xf32> to vector<16xf32>
      %swap3A_394 = vector.shape_cast %scan3A_297#23 : vector<16xf32> to vector<16xf32>
      tpu.vector_store %arg12[%swap3A_391], %swap3A_394 {strides = array<i32>} : memref<512xf32, #tpu.memory_space<vmem>>, vector<16xf32>,
      %swap3A_395 = arith.constant 384 : index
      %swap3A_396 = tpu.vector_load %arg12[%swap3A_395] {strides = array<i32>} : memref<512xf32, #tpu.memory_space<vmem>>, vector<16xf32>,
      %swap3A_397 = vector.shape_cast %swap3A_396 : vector<16xf32> to vector<16xf32>
      %swap3A_398 = vector.shape_cast %scan3A_297#24 : vector<16xf32> to vector<16xf32>
      tpu.vector_store %arg12[%swap3A_395], %swap3A_398 {strides = array<i32>} : memref<512xf32, #tpu.memory_space<vmem>>, vector<16xf32>,
      %swap3A_399 = arith.constant 400 : index
      %swap3A_400 = tpu.vector_load %arg12[%swap3A_399] {strides = array<i32>} : memref<512xf32, #tpu.memory_space<vmem>>, vector<16xf32>,
      %swap3A_401 = vector.shape_cast %swap3A_400 : vector<16xf32> to vector<16xf32>
      %swap3A_402 = vector.shape_cast %scan3A_297#25 : vector<16xf32> to vector<16xf32>
      tpu.vector_store %arg12[%swap3A_399], %swap3A_402 {strides = array<i32>} : memref<512xf32, #tpu.memory_space<vmem>>, vector<16xf32>,
      %swap3A_403 = arith.constant 416 : index
      %swap3A_404 = tpu.vector_load %arg12[%swap3A_403] {strides = array<i32>} : memref<512xf32, #tpu.memory_space<vmem>>, vector<16xf32>,
      %swap3A_405 = vector.shape_cast %swap3A_404 : vector<16xf32> to vector<16xf32>
      %swap3A_406 = vector.shape_cast %scan3A_297#26 : vector<16xf32> to vector<16xf32>
      tpu.vector_store %arg12[%swap3A_403], %swap3A_406 {strides = array<i32>} : memref<512xf32, #tpu.memory_space<vmem>>, vector<16xf32>,
      %swap3A_407 = arith.constant 432 : index
      %swap3A_408 = tpu.vector_load %arg12[%swap3A_407] {strides = array<i32>} : memref<512xf32, #tpu.memory_space<vmem>>, vector<16xf32>,
      %swap3A_409 = vector.shape_cast %swap3A_408 : vector<16xf32> to vector<16xf32>
      %swap3A_410 = vector.shape_cast %scan3A_297#27 : vector<16xf32> to vector<16xf32>
      tpu.vector_store %arg12[%swap3A_407], %swap3A_410 {strides = array<i32>} : memref<512xf32, #tpu.memory_space<vmem>>, vector<16xf32>,
      %swap3A_411 = arith.constant 448 : index
      %swap3A_412 = tpu.vector_load %arg12[%swap3A_411] {strides = array<i32>} : memref<512xf32, #tpu.memory_space<vmem>>, vector<16xf32>,
      %swap3A_413 = vector.shape_cast %swap3A_412 : vector<16xf32> to vector<16xf32>
      %swap3A_414 = vector.shape_cast %scan3A_297#28 : vector<16xf32> to vector<16xf32>
      tpu.vector_store %arg12[%swap3A_411], %swap3A_414 {strides = array<i32>} : memref<512xf32, #tpu.memory_space<vmem>>, vector<16xf32>,
      %swap3A_415 = arith.constant 464 : index
      %swap3A_416 = tpu.vector_load %arg12[%swap3A_415] {strides = array<i32>} : memref<512xf32, #tpu.memory_space<vmem>>, vector<16xf32>,
      %swap3A_417 = vector.shape_cast %swap3A_416 : vector<16xf32> to vector<16xf32>
      %swap3A_418 = vector.shape_cast %scan3A_297#29 : vector<16xf32> to vector<16xf32>
      tpu.vector_store %arg12[%swap3A_415], %swap3A_418 {strides = array<i32>} : memref<512xf32, #tpu.memory_space<vmem>>, vector<16xf32>,
      %swap3A_419 = arith.constant 480 : index
      %swap3A_420 = tpu.vector_load %arg12[%swap3A_419] {strides = array<i32>} : memref<512xf32, #tpu.memory_space<vmem>>, vector<16xf32>,
      %swap3A_421 = vector.shape_cast %swap3A_420 : vector<16xf32> to vector<16xf32>
      %swap3A_422 = vector.shape_cast %scan3A_297#30 : vector<16xf32> to vector<16xf32>
      tpu.vector_store %arg12[%swap3A_419], %swap3A_422 {strides = array<i32>} : memref<512xf32, #tpu.memory_space<vmem>>, vector<16xf32>,
      %swap3A_423 = arith.constant 496 : index
      %swap3A_424 = tpu.vector_load %arg12[%swap3A_423] {strides = array<i32>} : memref<512xf32, #tpu.memory_space<vmem>>, vector<16xf32>,
      %swap3A_425 = vector.shape_cast %swap3A_424 : vector<16xf32> to vector<16xf32>
      %swap3A_426 = vector.shape_cast %scan3A_297#31 : vector<16xf32> to vector<16xf32>
      tpu.vector_store %arg12[%swap3A_423], %swap3A_426 {strides = array<i32>} : memref<512xf32, #tpu.memory_space<vmem>>, vector<16xf32>,
      "tpu.region"() ({
        %run_scoped3A = tpu.sem_alloc : memref<!tpu.dma_semaphore, #tpu.memory_space<semaphore_mem>>
        %dma_start3A_427 = arith.constant 0 : i32
        %dma_start3A_428 = tpu.memref_slice %arg5[%add3A_17, %dma_start3A_427] : memref<4096x512xf32, #tpu.memory_space<hbm>> -> memref<1x512xf32, #tpu.memory_space<hbm>>
        %dma_start3A_429 = tpu.memref_squeeze %dma_start3A_428 : memref<1x512xf32, #tpu.memory_space<hbm>> -> memref<512xf32, #tpu.memory_space<hbm>>
        %dma_start3A_430 = arith.constant 0 : i32
        %dma_start3A_431 = tpu.memref_slice %arg5[%add3A_17, %dma_start3A_430] : memref<4096x512xf32, #tpu.memory_space<hbm>> -> memref<1x512xf32, #tpu.memory_space<hbm>>
        %dma_start3A_432 = tpu.memref_squeeze %dma_start3A_431 : memref<1x512xf32, #tpu.memory_space<hbm>> -> memref<512xf32, #tpu.memory_space<hbm>>
        tpu.enqueue_dma source(%arg12 : memref<512xf32, #tpu.memory_space<vmem>>) target(%dma_start3A_432 : memref<512xf32, #tpu.memory_space<hbm>>) target_semaphore(%run_scoped3A : memref<!tpu.dma_semaphore, #tpu.memory_space<semaphore_mem>>)
        %dma_wait3A_433 = arith.constant 0 : i32
        %dma_wait3A_434 = tpu.memref_slice %arg5[%add3A_17, %dma_wait3A_433] : memref<4096x512xf32, #tpu.memory_space<hbm>> -> memref<1x512xf32, #tpu.memory_space<hbm>>
        %dma_wait3A_435 = tpu.memref_squeeze %dma_wait3A_434 : memref<1x512xf32, #tpu.memory_space<hbm>> -> memref<512xf32, #tpu.memory_space<hbm>>
        %dma_wait3A_436 = arith.constant 0 : i32
        %dma_wait3A_437 = tpu.memref_slice %arg5[%add3A_17, %dma_wait3A_436] : memref<4096x512xf32, #tpu.memory_space<hbm>> -> memref<1x512xf32, #tpu.memory_space<hbm>>
        %dma_wait3A_438 = tpu.memref_squeeze %dma_wait3A_437 : memref<1x512xf32, #tpu.memory_space<hbm>> -> memref<512xf32, #tpu.memory_space<hbm>>
        tpu.wait_dma2 semaphore(%run_scoped3A : memref<!tpu.dma_semaphore, #tpu.memory_space<semaphore_mem>>) src(%arg12 : memref<512xf32, #tpu.memory_space<vmem>>) dst(%dma_wait3A_438 : memref<512xf32, #tpu.memory_space<hbm>>)
        tpu.yield
      }) : () -> ()
    }
    %scan3A_9 = arith.constant 64 : i32
    %dma_wait3A = arith.constant 0 : i32
    %dma_wait3A_10 = arith.constant 0 : i32
    %dma_wait3A_11 = tpu.memref_slice %arg4[%dma_wait3A, %dma_wait3A_10] : memref<151936x512xf32, #tpu.memory_space<hbm>> -> memref<151936x512xf32, #tpu.memory_space<hbm>>
    tpu.wait_indirect_dma semaphore(%arg13 : memref<!tpu.dma_semaphore, #tpu.memory_space<semaphore_mem>>) src(%dma_wait3A_11 : memref<151936x512xf32, #tpu.memory_space<hbm>>) dst(%arg10 : memref<80x512xf32, #tpu.memory_space<vmem>>)
    return
  }
}

module attributes {stable_mosaic.version = 14 : i64} {
  func.func @_mm_body(%arg0: i32, %arg1: memref<512x512xf32, #tpu.memory_space<vmem>>, %arg2: memref<512x80xi32, #tpu.memory_space<vmem>>, %arg3: memref<512x512xf32, #tpu.memory_space<vmem>>, %arg4: memref<8x512xf32, #tpu.memory_space<vmem>>, %arg5: memref<512x512xf32, #tpu.memory_space<vmem>>) attributes {dimension_semantics = [#tpu.dimension_semantics<arbitrary>], iteration_bounds = array<i64: 8>, scalar_prefetch = 0 : i64, scratch_operands = 0 : i64, tpu.core_type = #tpu.core_type<tc>, window_params = [{transform_indices = @transform_0, window_bounds = array<i64: 512, 512>}, {transform_indices = @transform_1, window_bounds = array<i64: 512, 80>}, {pipeline_mode = #tpu.pipeline_mode<synchronous>, transform_indices = @transform_2, window_bounds = array<i64: 512, 512>}, {pipeline_mode = #tpu.pipeline_mode<synchronous>, transform_indices = @transform_3, window_bounds = array<i64: 8, 512>}, {transform_indices = @transform_4, window_bounds = array<i64: 512, 512>}]} {
    %get3A = arith.constant 0 : index
    %get3A_0 = arith.constant 0 : index
    %get3A_1 = vector.load %arg2[%get3A, %get3A_0] : memref<512x80xi32, #tpu.memory_space<vmem>>, vector<512x80xi32>
    %convert_element_type3A = arith.sitofp %get3A_1 : vector<512x80xi32> to vector<512x80xf32>
    %reduce_sum3A = arith.constant dense<0.000000e+00> : vector<512xf32>
    %reduce_sum3A_2 = vector.multi_reduction <add>, %convert_element_type3A, %reduce_sum3A [1] : vector<512x80xf32> to vector<512xf32>
    %broadcast_in_dim3A = vector.shape_cast %reduce_sum3A_2 : vector<512xf32> to vector<512x1xf32>
    %get3A_3 = arith.constant 0 : index
    %get3A_4 = arith.constant 0 : index
    %get3A_5 = vector.load %arg1[%get3A_3, %get3A_4] : memref<512x512xf32, #tpu.memory_space<vmem>>, vector<512x512xf32>
    %max3A = arith.constant 9.99999971E-10 : f32
    %max3A_6 = vector.broadcast %max3A : f32 to vector<512x1xf32>
    %max3A_7 = arith.maximumf %broadcast_in_dim3A, %max3A_6 : vector<512x1xf32>
    %div3A = vector.broadcast %max3A_7 : vector<512x1xf32> to vector<512x512xf32>
    %div3A_8 = arith.divf %get3A_5, %div3A : vector<512x512xf32>
    %get3A_9 = arith.constant 0 : index
    %get3A_10 = arith.constant 0 : index
    %get3A_11 = vector.load %arg3[%get3A_9, %get3A_10] : memref<512x512xf32, #tpu.memory_space<vmem>>, vector<512x512xf32>
    %dot_general3A = arith.constant dense<0.000000e+00> : vector<512x512xf32>
    %dot_general3A_12 = tpu.matmul %div3A_8, %get3A_11, %dot_general3A {dimension_numbers = #tpu.dot_dimension_numbers<[1], [1], [0], [0], [0, 0, 1, 0], [], []>, transpose_lhs_hint = false} : vector<512x512xf32>, vector<512x512xf32>, vector<512x512xf32> -> vector<512x512xf32>
    %get3A_13 = arith.constant 0 : index
    %get3A_14 = arith.constant 0 : index
    %get3A_15 = vector.load %arg4[%get3A_13, %get3A_14] : memref<8x512xf32, #tpu.memory_space<vmem>>, vector<1x512xf32>
    %add3A = vector.broadcast %get3A_15 : vector<1x512xf32> to vector<512x512xf32>
    %add3A_16 = arith.addf %dot_general3A_12, %add3A : vector<512x512xf32>
    %swap3A = arith.constant 0 : index
    %swap3A_17 = arith.constant 0 : index
    %swap3A_18 = vector.load %arg5[%swap3A, %swap3A_17] : memref<512x512xf32, #tpu.memory_space<vmem>>, vector<512x512xf32>
    tpu.vector_store %arg5[%swap3A, %swap3A_17], %add3A_16 {strides = array<i32>} : memref<512x512xf32, #tpu.memory_space<vmem>>, vector<512x512xf32>,
    return
  }
  func.func @transform_0(%arg0: i32) -> (i32, i32) {
    %c0_i32 = arith.constant 0 : i32
    %c0_i32_0 = arith.constant 0 : i32
    return %arg0, %c0_i32 : i32, i32
  }
  func.func @transform_1(%arg0: i32) -> (i32, i32) {
    %c0_i32 = arith.constant 0 : i32
    %c0_i32_0 = arith.constant 0 : i32
    return %arg0, %c0_i32 : i32, i32
  }
  func.func @transform_2(%arg0: i32) -> (i32, i32) {
    %c0_i32 = arith.constant 0 : i32
    %c0_i32_0 = arith.constant 0 : i32
    %c0_i32_1 = arith.constant 0 : i32
    return %c0_i32, %c0_i32_0 : i32, i32
  }
  func.func @transform_3(%arg0: i32) -> (i32, i32) {
    %c0_i32 = arith.constant 0 : i32
    %c0_i32_0 = arith.constant 0 : i32
    %c0_i32_1 = arith.constant 0 : i32
    return %c0_i32, %c0_i32_0 : i32, i32
  }
  func.func @transform_4(%arg0: i32) -> (i32, i32) {
    %c0_i32 = arith.constant 0 : i32
    %c0_i32_0 = arith.constant 0 : i32
    return %arg0, %c0_i32 : i32, i32
  }
}

</mosaic_0001>

<sc_bundles>
// kernel: kernel.4.cloned.1.call-start
scs
__scs_entry_jumppad:
0x0: {  	(pc) =	sbr.rel $0x88, $3  }
0x1: {  	(tag) =	ssettag $0x0;
	lr =	simm.s32 $0x1  }
0x2: {  	[smem:$0x3F9C] =	sst lr;
	_ =	strace $0xD0000000  }
0x3: {  	_ = 	snop  }
0x4: {  	_ = 	snop  }
0x5: {  	_ = 	snop  }
0x6: {  	_ = 	snop  }
0x7: {  	_ = 	snop  }
__scs_overlays_trampoline_lowered:
0x8: {  	[smem:$0x3FAB] =	sst s0  }
0x9: {  	[smem:$0x3FAC] =	sst s1  }
0xa: {  	[smem:$0x3FAD] =	sst s2  }
0xb: {  	[smem:$0x3FAE] =	sst s3  }
0xc: {  	[smem:$0x3FAF] =	sst s4  }
0xd: {  	[smem:$0x3FB0] =	sst s5  }
0xe: {  	[smem:$0x3FB1] =	sst s6  }
0xf: {  	[smem:$0x3FB2] =	sst s7  }
0x10: {  	[smem:$0x3FB3] =	sst s8  }
0x11: {  	[smem:$0x3FB4] =	sst s9;
	s0 =	simm.s32 @!p0 $0x0  }
0x12: {  	s1 =	sld [smem:$0x3F9A];
	s0 =	simm.s32 @p0 $0x1  }
0x13: {  	[smem:$0x3FB5] =	sst s0;
	s0 =	simm.s32 @!p1 $0x0  }
0x14: {  	s2 =	sld [smem:$0x3F99];
	s0 =	simm.s32 @p1 $0x1  }
0x15: {  	[smem:$0x3FB6] =	sst s0;
	s0 =	simm.s32 @!p2 $0x0  }
0x16: {  	s3 =	sld [smem:$0x3FDB];
	s0 =	simm.s32 @p2 $0x1  }
0x17: {  	s4 =	simm.s32 $0x1BF5;
	[smem:$0x3FB8] =	sst s0  }
0x18: {  	s0 =	sld [smem:$0x3F9B];
	_ =	swait.ge [sflag:s4], $0x0  }
0x19: {  	s7 =	sld [smem:$0x3F9C]  }
0x1a: {  	s8 =	sadd.s32 $0xFFFFE003, lr  }
0x1b: {  	s9 =	sadd.s32 $0xFFFFFEF7, lr;
	s5 =	simm.s32 $0xFFFFFFFF;
	p2 =	slt.u32 s8, $0xFFFFF086  }
0x1c: {  	p1 =	slt.u32 s9, $0xF7A;
	s5 =	simm.s32 @!p2 $0x0  }
0x1d: {  	s5 =	simm.s32 @p1 $0x1;
	p0 =	seq.s32 s7, s2  }
0x1e: {  	s7 =	smul.u32 @!p0 $0xF7A, s2;
	p2 =	seq.s32 @!p0 s5, $0x0  }
0x1f: {  	s9 =	smul.u32 $0xF7A, s1;
	s8 =	simm.s32 @!p0 $0x1BF5;
	p2 =	por !p2, p0  }
0x20: {  	[sflag:s8] =	ssyncset.s32 @!p0 $0xFFFFF086;
	s6 =	sadd.s32 @!p0 s3, s7;
	s7 =	simm.s32 @!p0 $0x108  }
0x21: {  	s3 =	sadd.s32 s3, s9;
	s6 =	sadd.s32 @!p0 $0x88, s6;
	s7 =	simm.s32 @p2 $0x1082  }
0x22: {  	[simem:s7], [sflag:s8] =	dma.local @!p0 [hbm:s6], $0xF7A  }
0x23: {  	s9 =	sor.u32 $0xD0000000, s2;
	s6 =	simm.s32 $0x108;
	_ =	swait.ge @!p0 [sflag:s8], $0x0  }
0x24: {  	s3 =	sadd.s32 $0x88, s3;
	s6 =	simm.s32 @!p1 $0x1082;
	[sflag:s4] =	ssyncset.s32 $0xFFFFF086  }
0x25: {  	[simem:s6], [sflag:s4] =	dma.local [hbm:s3], $0xF7A  }
0x26: {  	[smem:$0x3F9C] =	sst s1;
	(tag) =	ssettag s2;
	_ =	strace s9  }
0x27: {  	s1 =	sld [smem:$0x3FAC]  }
0x28: {  	s2 =	sld [smem:$0x3FAD]  }
0x29: {  	s4 =	sld [smem:$0x3FAF]  }
0x2a: {  	p0 =	seq.s32 s5, $0x0;
	s5 =	sld [smem:$0x3FB0]  }
0x2b: {  	s6 =	sld [smem:$0x3FB1]  }
0x2c: {  	s7 =	sld [smem:$0x3FB2]  }
0x2d: {  	s3 =	simm.s32 $0x108;
	s8 =	sld [smem:$0x3FB3]  }
0x2e: {  	s3 =	simm.s32 @!p0 $0x1082;
	s9 =	sld [smem:$0x3FB4]  }
0x2f: {  	lr =	sadd.s32 s0, s3;
	s0 =	sld [smem:$0x3FAB]  }
0x30: {  	s3 =	sld [smem:$0x3FAE]  }
0x31: {  	[smem:$0x3FB7] =	sst s10  }
0x32: {  	s10 =	sld [smem:$0x3FB5];
	_ =	sdelay $0x3  }
0x33: {  	p0 =	seq.s32 s10, $0x1;
	s10 =	sld [smem:$0x3FB7];
	_ =	sdelay $0x3  }
0x34: {  	[smem:$0x3FB7] =	sst s10  }
0x35: {  	s10 =	sld [smem:$0x3FB6];
	_ =	sdelay $0x3  }
0x36: {  	p1 =	seq.s32 s10, $0x1;
	s10 =	sld [smem:$0x3FB7];
	_ =	sdelay $0x3  }
0x37: {  	[smem:$0x3FB7] =	sst s10  }
0x38: {  	s10 =	sld [smem:$0x3FB8]  }
0x39: {  	_ = 	snop;
	(pc) =	sbr.ind lr, $3  }
0x3a: {  	_ = 	snop  }
0x3b: {  	_ = 	snop  }
0x3c: {  	p2 =	seq.s32 s10, $0x1;
	s10 =	sld [smem:$0x3FB7]  }
0x3d: {  	_ =	shalt  }
0x3e: {  	_ =	shalt  }
0x3f: {  	_ =	shalt  }
0x40: {  	_ =	shalt  }
0x41: {  	_ =	shalt  }
0x42: {  	_ =	shalt  }
0x43: {  	_ =	shalt  }
0x44: {  	_ =	shalt  }
0x45: {  	_ =	shalt  }
0x46: {  	_ =	shalt  }
0x47: {  	_ =	shalt  }
0x48: {  	_ =	shalt  }
0x49: {  	_ =	shalt  }
0x4a: {  	_ =	shalt  }
0x4b: {  	_ =	shalt  }
0x4c: {  	_ =	shalt  }
0x4d: {  	_ =	shalt  }
0x4e: {  	_ =	shalt  }
0x4f: {  	_ =	shalt  }
0x50: {  	_ =	shalt  }
0x51: {  	_ =	shalt  }
0x52: {  	_ =	shalt  }
0x53: {  	_ =	shalt  }
0x54: {  	_ =	shalt  }
0x55: {  	_ =	shalt  }
0x56: {  	_ =	shalt  }
0x57: {  	_ =	shalt  }
0x58: {  	_ =	shalt  }
0x59: {  	_ =	shalt  }
0x5a: {  	_ =	shalt  }
0x5b: {  	_ =	shalt  }
0x5c: {  	_ =	shalt  }
0x5d: {  	_ =	shalt  }
0x5e: {  	_ =	shalt  }
0x5f: {  	_ =	shalt  }
0x60: {  	_ =	shalt  }
0x61: {  	_ =	shalt  }
0x62: {  	_ =	shalt  }
0x63: {  	_ =	shalt  }
0x64: {  	_ =	shalt  }
0x65: {  	_ =	shalt  }
0x66: {  	_ =	shalt  }
0x67: {  	_ =	shalt  }
0x68: {  	_ =	shalt  }
0x69: {  	_ =	shalt  }
0x6a: {  	_ =	shalt  }
0x6b: {  	_ =	shalt  }
0x6c: {  	_ =	shalt  }
0x6d: {  	_ =	shalt  }
0x6e: {  	_ =	shalt  }
0x6f: {  	_ =	shalt  }
0x70: {  	_ =	shalt  }
0x71: {  	_ =	shalt  }
0x72: {  	_ =	shalt  }
0x73: {  	_ =	shalt  }
0x74: {  	_ =	shalt  }
0x75: {  	_ =	shalt  }
0x76: {  	_ =	shalt  }
0x77: {  	_ =	shalt  }
0x78: {  	_ =	shalt  }
0x79: {  	_ =	shalt  }
0x7a: {  	_ =	shalt  }
0x7b: {  	_ =	shalt  }
0x7c: {  	_ =	shalt  }
0x7d: {  	_ =	shalt  }
0x7e: {  	_ =	shalt  }
0x7f: {  	_ =	shalt  }
0x80: {  	_ =	shalt  }
0x81: {  	_ =	shalt  }
0x82: {  	_ =	shalt  }
0x83: {  	_ =	shalt  }
0x84: {  	_ =	shalt  }
0x85: {  	_ =	shalt  }
0x86: {  	_ =	shalt  }
0x87: {  	_ =	shalt  }
.Lfunc_end0:
.L_simem_size_0:
called_computation_lowered:
.L_overlay_start_0:
0x88: {  	s2 =	sld [smem:$0x3FD9]  }
0x89: {  	s3 =	sld [smem:$0x3FFE];
	_ =	sdelay $0x1  }
0x8a: {  	s1 =	srdreg.scid  }
0x8b: {  	s0 =	sand.u32 $0x1, s1  }
0x8c: {  	s17 =	sshll.u32 s0, $0xA;
	s2 =	sadd.s32 s3, s2  }
0x8d: {  	s2 =	sadd.s32 s2, s17  }
0x8e: {  	[smem:$0x3FC3] =	sst s2  }
0x8f: {  	_ = 	snop  }
0x90: {  	s2 =	sld [smem:$0x3FC7]  }
0x91: {  	s18 =	sld [smem:$0x3FD0];
	(tm) =	ssettm $0x1  }
0x92: {  	s4 =	sld [smem:$0x3FFB];
	_ =	sdelay $0x3  }
0x93: {  	_ =	strace s4  }
0x94: {  	s4 =	sld [smem:$0x3FFC];
	_ =	sdelay $0x3  }
0x95: {  	_ =	strace s4  }
0x96: {  	s4 =	sld [smem:$0x3FFD];
	_ =	sdelay $0x3  }
0x97: {  	_ =	strace s4  }
0x98: {  	_ =	strace $0x8FFFFFFF  }
0x99: {  	s19 =	sld [smem:$0x3FDB];
	_ =	sdelay $0x1  }
0x9a: {  	s5 =	simm.s32 $_scs_section_size  }
0x9b: {  	s6 =	simm.s32 $_size__tile_overlayer_lowered;
	s7 =	simm.s32 $_tile_overlayer_lowered  }
0x9c: {  	s22 =	simm.s32 $0x1BFF;
	s21 =	sshll.u32 s7, $0x1;
	s4 =	sadd.s32 s5, s19  }
0x9d: {  	s8 =	simm.s32 $0x0;
	s20 =	sshll.u32 s6, $0x1;
	s6 =	sadd.s32 s21, s4  }
0x9e: {  	[timem:s8], [sflag:s22] =	dma.local [hbm:s6], s20  }
0x9f: {  	_ =	swait.ge [sflag:s22], s20  }
0xa0: {  	s5 =	ssub.s32 $0x0, s20;
	[sflag:s22] =	ssyncset.done $0x0  }
0xa1: {  	[sflag:s22] =	ssyncadd.s32 s5;
	_ =	sdelay $0x1  }
0xa2: {  	s23 =	simm.s32 $0x1B8B  }
0xa3: {  	_ =	swait.ge [sflag:s23], $0x1  }
0xa4: {  	[sflag:s23] =	ssyncset.done $0x0  }
0xa5: {  	s25 =	simm.s32 $0x1B8E;
	s24 =	sld [smem:$0x3FFE];
	[sflag:s23] =	ssyncadd.s32 $0xFFFFFFFF  }
0xa6: {  	s26 =	simm.s32 $execute0_lowered;
	[smem:$0x3FD2] =	sst s25  }
0xa7: {  	s6 =	sshll.u32 s26, $0x1;
	_ =	strace $0x80000046;
	[dreg:$0x1] =	wrdreg $0xFFFFFFFF  }
0xa8: {  	s28 =	simm.s32 $_size_execute0_lowered;
	s4 =	sadd.s32 s4, s6;
	[dreg:$0x0] =	wrdreg $0x0  }
0xa9: {  	s6 =	sshll.u32 s28, $0x1;
	[dreg:$0x2] =	wrdreg s4  }
0xaa: {  	[dreg:$0x3] =	wrdreg s6  }
0xab: {  	[dreg:$0x4] =	wrdreg $0xC0  }
0xac: {  	_ =	task [dreg:s8], $0x5FFFF  }
0xad: {  	[dreg:$0x1] =	wrdreg $0xFFFFFFFF  }
0xae: {  	[dreg:$0x0] =	wrdreg $0x60  }
0xaf: {  	[dreg:$0x2] =	wrdreg s24  }
0xb0: {  	[dreg:$0x3] =	wrdreg s2  }
0xb1: {  	[dreg:$0x4] =	wrdreg s18  }
0xb2: {  	[dreg:$0x5] =	wrdreg $0x9  }
0xb3: {  	_ =	task.clear_ibuf [dreg:s8], $0x6FFFF;
	_ =	strace $0x90000046  }
0xb4: {  	s29 =	simm.s32 $0x9;
	_ =	strace $0x80000048  }
0xb5: {  	_ =	swait.ge [sflag:s29], $0x1  }
0xb6: {  	[sflag:s29] =	ssyncadd.s32 $0xFFFFFFFF  }
0xb7: {  	_ =	strace $0x90000048  }
0xb8: {  	_ =	sfence  }
0xb9: {  	s30 =	sld [smem:$0x0];
	_ =	sdelay $0x2  }
0xba: {  	s31 =	sshll.u32 s1, $0xD;
	s1 =	sshrl.u32 s1, $0x2  }
0xbb: {  	s3 =	sand.u32 $0x4000, s31;
	s1 =	sadd.s32 s1, s30  }
0xbc: {  	s0 =	sor.u32 s3, s0;
	s1 =	sshll.u32 s1, $0x11  }
0xbd: {  	s0 =	sor.u32 s1, s0  }
0xbe: {  	s0 =	sadd.s32 $0x8F2B, s0  }
0xbf: {  	[sflag:s0] =	ssyncadd.remote.s32 $0x1  }
0xc0: {  	_ =	sfence.sel $0xFFFF  }
0xc1: {  	[dreg:$0x0] =	wrdreg $0xFFFFFFFF;
	(pc) =	sbr.abs _section_cstart, $3  }
0xc2: {  	[dreg:$0x1] =	wrdreg $0xFFFFFFFF  }
0xc3: {  	_ =	task.clear_ibuf [dreg:s8], $0x2FFFF;
	_ =	strace $0x9FFFFFFF  }
0xc4: {  	(tm) =	ssettm $0x7FFFFFFF  }
0xc5: {  	_ =	shalt  }
tec
execute0_lowered:
.L_overlay_start_1:
0x0: {  	(tag) =	ssettag $0x1  }
0x1: {  	s0 =	rddreg [dreg:$0x0]  }
0x2: {  	s1 =	rddreg [dreg:$0x1]  }
0x3: {  	s3 =	rddreg [dreg:$0x2]  }
0x4: {  	s2 =	srdreg.scid;
	s5 =	simm.s32 $0x0;
	s4 =	stileid.u32  }
0x5: {  	s12 =	simm.s32 $0x3;
	s28 =	simm.s32 $0xB900;
	s29 =	simm.s32 $0xC100  }
0x6: {  	s30 =	simm.s32 $0xC900;
	s31 =	simm.s32 $0xD100;
	s9 =	simm.s32 $0x80  }
0x7: {  	s16 =	simm.s32 $0x1;
	s17 =	simm.s32 $0x19100;
	s18 =	simm.s32 $0x2  }
0x8: {  	s13 =	simm.s32 $0x0;
	s2 =	sand.u32 $0x1, s2;
	[smem:$0x7FF] =	sst s5  }
0x9: {  	s4 =	sshll.u32 s4, $0x8;
	s6 =	sadd.s32 $0x11000, s0;
	s7 =	sadd.s32 $0x21000, s0  }
0xa: {  	s10 =	sadd.s32 $0x100, s1;
	s23 =	sshll.u32 s2, $0x7;
	s2 =	ssub.s32 $0x2, s2  }
0xb: {  	_ =	strace $0x80000047;
	s5 =	sor.u32 s23, s4;
	s24 =	sshrl.u32 s2, $0x1  }
0xc: {  	v2 =	vlaneseq.u32;
	s4 =	smul.u32 $0x500, s5;
	s8 =	sshll.u32 s5, $0x4;
	s0 =	ssub.s32 s2, s24  }
0xd: {  	v0 =	vand.u32 $0x7, v2;
	v1 =	vshrl.u32 v2, $0x3;
	s2 =	simm.s32 $0xE100;
	s25 =	sadd.s32 s6, s8;
	s0 =	smax.u32 s0, $0x1  }
0xe: {  	v63 =	vor.u32 $0x8, v2;
	[tilespmem:$0x1FFD0] =	vst v0;
	v62 =	vmul.u32 $0x8, v1;
	s8 =	simm.s32 $0xE900;
	[dreg:$0x4] =	wrdreg s25;
	s26 =	sadd.s32 s7, s4  }
0xf: {  	[tilespmem:$0x1FFF0] =	vst v63;
	[dreg:$0x6] =	wrdreg s0;
	s25 =	simm.s32 $0xA900;
	s0 =	simm.s32 $0xD900  }
0x10: {  	vm0 =	vmmov $0xffff;
	[tilespmem:$0x1FFE0] =	vst v62;
	s4 =	simm.s32 $0x400;
	[dreg:$0x5] =	wrdreg s26;
	s26 =	simm.s32 $0xB100  }
.LBB2_1:
0x11: {  	[dreg:$0x7] =	wrdreg s13  }
0x12: {  	s11 =	simm.s32 $0x0;
	s20 =	rddreg [dreg:$0x4]  }
0x13: {  	[tilespmem:s11], [sflag:$0x3] =	stream.linear.gather [hbm4b:s20+s11], $0x80, $0x38;
	[tilespmem:$0x19300] =	vst v63  }
0x14: {  	_ =	swait.ge [sflag:s12], $0x80  }
0x15: {  	[sflag:s12] =	ssyncset.done $0x0  }
0x16: {  	s14 =	simm.s32 $0x100;
	s21 =	rddreg [dreg:$0x5];
	[sflag:s12] =	ssyncadd.s32 $0xFFFFFF80  }
0x17: {  	[tilespmem:s14], [sflag:$0x3] =	stream.linear.gather [hbm4b:s21+s11], $0x2800, $0x38;
	[tilespmem:$0x19300] =	vst v63  }
0x18: {  	_ =	swait.ge [sflag:s12], $0x2800  }
0x19: {  	[sflag:s12] =	ssyncset.done $0x0  }
0x1a: {  	[sflag:s12] =	ssyncadd.s32 $0xFFFFD800  }
0x1b: {  	v3 =	vld [tilespmem:$0x0];
	_ =	sdelay $0x2  }
0x1c: {  	v0 =	vld [tilespmem:$0x1FFD0];
	_ =	sdelay $0x1  }
0x1d: {  	v1 =	vld [tilespmem:$0x1FFE0];
	v4 =	vshll.u32 v3, $0x2  }
0x1e: {  	v3 =	vand.u32 $0x7, v3;
	v4 =	vand.u32 $0xFFFFFFE0, v4  }
0x1f: {  	v2 =	vld [tilespmem:$0x1FFF0];
	v3 =	vor.u32 v3, v4  }
0x20: {  	v4 =	vperm.xlane v3, v0;
	_ =	sdelay $0x1  }
0x21: {  	v4 =	vadd.s32 v1, v4;
	_ =	sdelay $0x1  }
0x22: {  	v3 =	vperm.xlane v3, v2;
	_ =	sdelay $0x1  }
0x23: {  	s22 =	simm.s32 $0x5100;
	v3 =	vadd.s32 v1, v3  }
0x24: {  	[tilespmem:s22], [sflag:$0x1] =	stream.indirect_vreg.gather [hbm4b:s1+s11], $0x80, v4, vm0, $0xb8;
	[tilespmem:$0x19300] =	vst v63  }
0x25: {  	s23 =	simm.s32 $0x5900  }
0x26: {  	[tilespmem:s23], [sflag:$0x1] =	stream.indirect_vreg.gather [hbm4b:s10+s11], $0x80, v4, vm0, $0xb8;
	[tilespmem:$0x19300] =	vst v63  }
0x27: {  	s24 =	simm.s32 $0x6100  }
0x28: {  	[tilespmem:s24], [sflag:$0x1] =	stream.indirect_vreg.gather [hbm4b:s1+s11], $0x80, v3, vm0, $0xb8;
	[tilespmem:$0x19300] =	vst v63  }
0x29: {  	s14 =	simm.s32 $0x6900  }
0x2a: {  	[tilespmem:s14], [sflag:$0x1] =	stream.indirect_vreg.gather [hbm4b:s10+s11], $0x80, v3, vm0, $0xb8;
	[tilespmem:$0x19300] =	vst v63  }
0x2b: {  	v3 =	vld [tilespmem:$0x10];
	_ =	sdelay $0x4  }
0x2c: {  	v60 =	vshll.u32 v3, $0x2  }
0x2d: {  	v3 =	vand.u32 $0x7, v3;
	v4 =	vand.u32 $0xFFFFFFE0, v60  }
0x2e: {  	v3 =	vor.u32 v3, v4  }
0x2f: {  	v4 =	vperm.xlane v3, v0;
	_ =	sdelay $0x1  }
0x30: {  	v4 =	vadd.s32 v1, v4;
	_ =	sdelay $0x1  }
0x31: {  	v3 =	vperm.xlane v3, v2;
	_ =	sdelay $0x1  }
0x32: {  	s15 =	simm.s32 $0x7100;
	v3 =	vadd.s32 v1, v3  }
0x33: {  	[tilespmem:s15], [sflag:$0x1] =	stream.indirect_vreg.gather [hbm4b:s1+s11], $0x80, v4, vm0, $0xb8;
	[tilespmem:$0x19300] =	vst v63  }
0x34: {  	s19 =	simm.s32 $0x7900  }
0x35: {  	[tilespmem:s19], [sflag:$0x1] =	stream.indirect_vreg.gather [hbm4b:s10+s11], $0x80, v4, vm0, $0xb8;
	[tilespmem:$0x19300] =	vst v63  }
0x36: {  	s20 =	simm.s32 $0x8100  }
0x37: {  	[tilespmem:s20], [sflag:$0x1] =	stream.indirect_vreg.gather [hbm4b:s1+s11], $0x80, v3, vm0, $0xb8;
	[tilespmem:$0x19300] =	vst v63  }
0x38: {  	s21 =	simm.s32 $0x8900  }
0x39: {  	[tilespmem:s21], [sflag:$0x1] =	stream.indirect_vreg.gather [hbm4b:s10+s11], $0x80, v3, vm0, $0xb8;
	[tilespmem:$0x19300] =	vst v63  }
0x3a: {  	v3 =	vld [tilespmem:$0x20];
	_ =	sdelay $0x4  }
0x3b: {  	v61 =	vshll.u32 v3, $0x2  }
0x3c: {  	v3 =	vand.u32 $0x7, v3;
	v4 =	vand.u32 $0xFFFFFFE0, v61  }
0x3d: {  	v3 =	vor.u32 v3, v4  }
0x3e: {  	v4 =	vperm.xlane v3, v0;
	_ =	sdelay $0x1  }
0x3f: {  	v4 =	vadd.s32 v1, v4;
	_ =	sdelay $0x1  }
0x40: {  	v3 =	vperm.xlane v3, v2;
	_ =	sdelay $0x1  }
0x41: {  	s22 =	simm.s32 $0x9100;
	v3 =	vadd.s32 v1, v3  }
0x42: {  	[tilespmem:s22], [sflag:$0x1] =	stream.indirect_vreg.gather [hbm4b:s1+s11], $0x80, v4, vm0, $0xb8;
	[tilespmem:$0x19300] =	vst v63  }
0x43: {  	s23 =	simm.s32 $0x9900  }
0x44: {  	[tilespmem:s23], [sflag:$0x1] =	stream.indirect_vreg.gather [hbm4b:s10+s11], $0x80, v4, vm0, $0xb8;
	[tilespmem:$0x19300] =	vst v63  }
0x45: {  	s24 =	simm.s32 $0xA100  }
0x46: {  	[tilespmem:s24], [sflag:$0x1] =	stream.indirect_vreg.gather [hbm4b:s1+s11], $0x80, v3, vm0, $0xb8;
	[tilespmem:$0x19300] =	vst v63  }
0x47: {  	_ = 	snop  }
0x48: {  	[tilespmem:s25], [sflag:$0x1] =	stream.indirect_vreg.gather [hbm4b:s10+s11], $0x80, v3, vm0, $0xb8;
	[tilespmem:$0x19300] =	vst v63  }
0x49: {  	v3 =	vld [tilespmem:$0x30];
	_ =	sdelay $0x4  }
0x4a: {  	v62 =	vshll.u32 v3, $0x2  }
0x4b: {  	v3 =	vand.u32 $0x7, v3;
	v4 =	vand.u32 $0xFFFFFFE0, v62  }
0x4c: {  	v3 =	vor.u32 v3, v4  }
0x4d: {  	v4 =	vperm.xlane v3, v0;
	_ =	sdelay $0x1  }
0x4e: {  	v4 =	vadd.s32 v1, v4;
	_ =	sdelay $0x1  }
0x4f: {  	v3 =	vperm.xlane v3, v2;
	_ =	sdelay $0x1  }
0x50: {  	v3 =	vadd.s32 v1, v3  }
0x51: {  	[tilespmem:s26], [sflag:$0x1] =	stream.indirect_vreg.gather [hbm4b:s1+s11], $0x80, v4, vm0, $0xb8;
	[tilespmem:$0x19300] =	vst v63  }
0x52: {  	_ = 	snop  }
0x53: {  	[tilespmem:s28], [sflag:$0x1] =	stream.indirect_vreg.gather [hbm4b:s10+s11], $0x80, v4, vm0, $0xb8;
	[tilespmem:$0x19300] =	vst v63  }
0x54: {  	_ = 	snop  }
0x55: {  	[tilespmem:s29], [sflag:$0x1] =	stream.indirect_vreg.gather [hbm4b:s1+s11], $0x80, v3, vm0, $0xb8;
	[tilespmem:$0x19300] =	vst v63  }
0x56: {  	_ = 	snop  }
0x57: {  	[tilespmem:s30], [sflag:$0x1] =	stream.indirect_vreg.gather [hbm4b:s10+s11], $0x80, v3, vm0, $0xb8;
	[tilespmem:$0x19300] =	vst v63  }
0x58: {  	v3 =	vld [tilespmem:$0x40];
	_ =	sdelay $0x4  }
0x59: {  	v63 =	vshll.u32 v3, $0x2  }
0x5a: {  	v3 =	vand.u32 $0x7, v3;
	v4 =	vand.u32 $0xFFFFFFE0, v63  }
0x5b: {  	v3 =	vor.u32 v3, v4  }
0x5c: {  	v4 =	vperm.xlane v3, v0;
	_ =	sdelay $0x1  }
0x5d: {  	v4 =	vadd.s32 v1, v4;
	_ =	sdelay $0x1  }
0x5e: {  	v3 =	vperm.xlane v3, v2;
	_ =	sdelay $0x1  }
0x5f: {  	v3 =	vadd.s32 v1, v3  }
0x60: {  	[tilespmem:s31], [sflag:$0x1] =	stream.indirect_vreg.gather [hbm4b:s1+s11], $0x80, v4, vm0, $0xb8;
	[tilespmem:$0x19300] =	vst v63  }
0x61: {  	_ = 	snop  }
0x62: {  	[tilespmem:s0], [sflag:$0x1] =	stream.indirect_vreg.gather [hbm4b:s10+s11], $0x80, v4, vm0, $0xb8;
	[tilespmem:$0x19300] =	vst v63  }
0x63: {  	_ = 	snop  }
0x64: {  	[tilespmem:s2], [sflag:$0x1] =	stream.indirect_vreg.gather [hbm4b:s1+s11], $0x80, v3, vm0, $0xb8;
	[tilespmem:$0x19300] =	vst v63  }
0x65: {  	s19 =	simm.s32 $0x0  }
0x66: {  	[tilespmem:s8], [sflag:$0x1] =	stream.indirect_vreg.gather [hbm4b:s10+s11], $0x80, v3, vm0, $0xb8;
	[tilespmem:$0x19300] =	vst v63  }
.LBB2_2:
0x67: {  	s11 =	sshll.u32 s19, $0x1  }
0x68: {  	s11 =	sadd.s32 s5, s11  }
0x69: {  	s13 =	sor.u32 $0x1, s11  }
0x6a: {  	s20 =	sshrl.u32 s11, $0x3;
	s14 =	sshll.u32 s13, $0x7  }
0x6b: {  	s15 =	sshll.u32 s20, $0xA;
	s14 =	sand.u32 $0x380, s14  }
0x6c: {  	s15 =	sor.u32 s15, s14  }
0x6d: {  	s15 =	sshrl.u32 s15, $0x3  }
0x6e: {  	s21 =	sadd.s32 s6, s15;
	s15 =	simm.s32 $0x0  }
0x6f: {  	[tilespmem:s9], [sflag:$0x3] =	stream.linear.gather [hbm4b:s21+s15], $0x80, $0x38;
	[tilespmem:$0x19300] =	vst v63  }
0x70: {  	s13 =	smul.u32 $0x500, s13;
	_ =	swait.ge [sflag:s12], $0x80  }
0x71: {  	[sflag:s12] =	ssyncset.done $0x0  }
0x72: {  	s24 =	simm.s32 $0x2900;
	s13 =	sadd.s32 s7, s13;
	[sflag:s12] =	ssyncadd.s32 $0xFFFFFF80  }
0x73: {  	[tilespmem:s24], [sflag:$0x3] =	stream.linear.gather [hbm4b:s13+s15], $0x2800, $0x38;
	[tilespmem:$0x19300] =	vst v63  }
0x74: {  	_ =	swait.ge [sflag:s12], $0x2800  }
0x75: {  	[sflag:s12] =	ssyncset.done $0x0  }
0x76: {  	[sflag:s12] =	ssyncadd.s32 $0xFFFFD800  }
0x77: {  	v3 =	vld [tilespmem:$0x80];
	_ =	sdelay $0x2  }
0x78: {  	v0 =	vld [tilespmem:$0x1FFD0];
	_ =	sdelay $0x1  }
0x79: {  	v1 =	vld [tilespmem:$0x1FFE0];
	v4 =	vshll.u32 v3, $0x2  }
0x7a: {  	v3 =	vand.u32 $0x7, v3;
	v4 =	vand.u32 $0xFFFFFFE0, v4  }
0x7b: {  	v2 =	vld [tilespmem:$0x1FFF0];
	v3 =	vor.u32 v3, v4  }
0x7c: {  	v4 =	vperm.xlane v3, v0;
	_ =	sdelay $0x1  }
0x7d: {  	v4 =	vadd.s32 v1, v4;
	_ =	sdelay $0x1  }
0x7e: {  	v3 =	vperm.xlane v3, v2;
	_ =	sdelay $0x1  }
0x7f: {  	s22 =	simm.s32 $0xF100;
	v3 =	vadd.s32 v1, v3  }
0x80: {  	[tilespmem:s22], [sflag:$0x2] =	stream.indirect_vreg.gather [hbm4b:s1+s15], $0x80, v4, vm0, $0xb8;
	[tilespmem:$0x19300] =	vst v63  }
0x81: {  	s23 =	simm.s32 $0xF900  }
0x82: {  	[tilespmem:s23], [sflag:$0x2] =	stream.indirect_vreg.gather [hbm4b:s10+s15], $0x80, v4, vm0, $0xb8;
	[tilespmem:$0x19300] =	vst v63  }
0x83: {  	s24 =	simm.s32 $0x10100  }
0x84: {  	[tilespmem:s24], [sflag:$0x2] =	stream.indirect_vreg.gather [hbm4b:s1+s15], $0x80, v3, vm0, $0xb8;
	[tilespmem:$0x19300] =	vst v63  }
0x85: {  	s21 =	simm.s32 $0x10900  }
0x86: {  	[tilespmem:s21], [sflag:$0x2] =	stream.indirect_vreg.gather [hbm4b:s10+s15], $0x80, v3, vm0, $0xb8;
	[tilespmem:$0x19300] =	vst v63  }
0x87: {  	v3 =	vld [tilespmem:$0x90];
	_ =	sdelay $0x4  }
0x88: {  	v4 =	vshll.u32 v3, $0x2  }
0x89: {  	v3 =	vand.u32 $0x7, v3;
	v4 =	vand.u32 $0xFFFFFFE0, v4  }
0x8a: {  	v3 =	vor.u32 v3, v4  }
0x8b: {  	v4 =	vperm.xlane v3, v0;
	_ =	sdelay $0x1  }
0x8c: {  	v4 =	vadd.s32 v1, v4;
	_ =	sdelay $0x1  }
0x8d: {  	v3 =	vperm.xlane v3, v2;
	_ =	sdelay $0x1  }
0x8e: {  	s22 =	simm.s32 $0x11100;
	v3 =	vadd.s32 v1, v3  }
0x8f: {  	[tilespmem:s22], [sflag:$0x2] =	stream.indirect_vreg.gather [hbm4b:s1+s15], $0x80, v4, vm0, $0xb8;
	[tilespmem:$0x19300] =	vst v63  }
0x90: {  	s23 =	simm.s32 $0x11900  }
0x91: {  	[tilespmem:s23], [sflag:$0x2] =	stream.indirect_vreg.gather [hbm4b:s10+s15], $0x80, v4, vm0, $0xb8;
	[tilespmem:$0x19300] =	vst v63  }
0x92: {  	s24 =	simm.s32 $0x12100  }
0x93: {  	[tilespmem:s24], [sflag:$0x2] =	stream.indirect_vreg.gather [hbm4b:s1+s15], $0x80, v3, vm0, $0xb8;
	[tilespmem:$0x19300] =	vst v63  }
0x94: {  	s21 =	simm.s32 $0x12900  }
0x95: {  	[tilespmem:s21], [sflag:$0x2] =	stream.indirect_vreg.gather [hbm4b:s10+s15], $0x80, v3, vm0, $0xb8;
	[tilespmem:$0x19300] =	vst v63  }
0x96: {  	v3 =	vld [tilespmem:$0xA0];
	_ =	sdelay $0x4  }
0x97: {  	v4 =	vshll.u32 v3, $0x2  }
0x98: {  	v3 =	vand.u32 $0x7, v3;
	v4 =	vand.u32 $0xFFFFFFE0, v4  }
0x99: {  	v3 =	vor.u32 v3, v4  }
0x9a: {  	v4 =	vperm.xlane v3, v0;
	_ =	sdelay $0x1  }
0x9b: {  	v4 =	vadd.s32 v1, v4;
	_ =	sdelay $0x1  }
0x9c: {  	v3 =	vperm.xlane v3, v2;
	_ =	sdelay $0x1  }
0x9d: {  	s22 =	simm.s32 $0x13100;
	v3 =	vadd.s32 v1, v3  }
0x9e: {  	[tilespmem:s22], [sflag:$0x2] =	stream.indirect_vreg.gather [hbm4b:s1+s15], $0x80, v4, vm0, $0xb8;
	[tilespmem:$0x19300] =	vst v63  }
0x9f: {  	s23 =	simm.s32 $0x13900  }
0xa0: {  	[tilespmem:s23], [sflag:$0x2] =	stream.indirect_vreg.gather [hbm4b:s10+s15], $0x80, v4, vm0, $0xb8;
	[tilespmem:$0x19300] =	vst v63  }
0xa1: {  	s24 =	simm.s32 $0x14100  }
0xa2: {  	[tilespmem:s24], [sflag:$0x2] =	stream.indirect_vreg.gather [hbm4b:s1+s15], $0x80, v3, vm0, $0xb8;
	[tilespmem:$0x19300] =	vst v63  }
0xa3: {  	s21 =	simm.s32 $0x14900  }
0xa4: {  	[tilespmem:s21], [sflag:$0x2] =	stream.indirect_vreg.gather [hbm4b:s10+s15], $0x80, v3, vm0, $0xb8;
	[tilespmem:$0x19300] =	vst v63  }
0xa5: {  	v3 =	vld [tilespmem:$0xB0];
	_ =	sdelay $0x4  }
0xa6: {  	v4 =	vshll.u32 v3, $0x2  }
0xa7: {  	v3 =	vand.u32 $0x7, v3;
	v4 =	vand.u32 $0xFFFFFFE0, v4  }
0xa8: {  	v3 =	vor.u32 v3, v4  }
0xa9: {  	v4 =	vperm.xlane v3, v0;
	_ =	sdelay $0x1  }
0xaa: {  	v4 =	vadd.s32 v1, v4;
	_ =	sdelay $0x1  }
0xab: {  	v3 =	vperm.xlane v3, v2;
	_ =	sdelay $0x1  }
0xac: {  	s22 =	simm.s32 $0x15100;
	v3 =	vadd.s32 v1, v3  }
0xad: {  	[tilespmem:s22], [sflag:$0x2] =	stream.indirect_vreg.gather [hbm4b:s1+s15], $0x80, v4, vm0, $0xb8;
	[tilespmem:$0x19300] =	vst v63  }
0xae: {  	s23 =	simm.s32 $0x15900  }
0xaf: {  	[tilespmem:s23], [sflag:$0x2] =	stream.indirect_vreg.gather [hbm4b:s10+s15], $0x80, v4, vm0, $0xb8;
	[tilespmem:$0x19300] =	vst v63  }
0xb0: {  	s24 =	simm.s32 $0x16100  }
0xb1: {  	[tilespmem:s24], [sflag:$0x2] =	stream.indirect_vreg.gather [hbm4b:s1+s15], $0x80, v3, vm0, $0xb8;
	[tilespmem:$0x19300] =	vst v63  }
0xb2: {  	s21 =	simm.s32 $0x16900  }
0xb3: {  	[tilespmem:s21], [sflag:$0x2] =	stream.indirect_vreg.gather [hbm4b:s10+s15], $0x80, v3, vm0, $0xb8;
	[tilespmem:$0x19300] =	vst v63  }
0xb4: {  	v3 =	vld [tilespmem:$0xC0];
	_ =	sdelay $0x4  }
0xb5: {  	v4 =	vshll.u32 v3, $0x2  }
0xb6: {  	v3 =	vand.u32 $0x7, v3;
	v4 =	vand.u32 $0xFFFFFFE0, v4  }
0xb7: {  	v3 =	vor.u32 v3, v4  }
0xb8: {  	v4 =	vperm.xlane v3, v0;
	_ =	sdelay $0x1  }
0xb9: {  	v4 =	vadd.s32 v1, v4;
	_ =	sdelay $0x1  }
0xba: {  	v3 =	vperm.xlane v3, v2;
	_ =	sdelay $0x1  }
0xbb: {  	s22 =	simm.s32 $0x17100;
	v3 =	vadd.s32 v1, v3  }
0xbc: {  	[tilespmem:s22], [sflag:$0x2] =	stream.indirect_vreg.gather [hbm4b:s1+s15], $0x80, v4, vm0, $0xb8;
	[tilespmem:$0x19300] =	vst v63  }
0xbd: {  	s23 =	simm.s32 $0x17900  }
0xbe: {  	[tilespmem:s23], [sflag:$0x2] =	stream.indirect_vreg.gather [hbm4b:s10+s15], $0x80, v4, vm0, $0xb8;
	[tilespmem:$0x19300] =	vst v63  }
0xbf: {  	s24 =	simm.s32 $0x18100  }
0xc0: {  	[tilespmem:s24], [sflag:$0x2] =	stream.indirect_vreg.gather [hbm4b:s1+s15], $0x80, v3, vm0, $0xb8;
	[tilespmem:$0x19300] =	vst v63  }
0xc1: {  	s21 =	simm.s32 $0x18900  }
0xc2: {  	[tilespmem:s21], [sflag:$0x2] =	stream.indirect_vreg.gather [hbm4b:s10+s15], $0x80, v3, vm0, $0xb8;
	[tilespmem:$0x19300] =	vst v63  }
0xc3: {  	_ =	swait.ge [sflag:s16], $0xA000  }
0xc4: {  	s22 =	simm.s32 $0x0;
	[sflag:s16] =	ssyncset.done $0x0  }
0xc5: {  	s23 =	sand.u32 $0xF000, s15;
	s15 =	sand.u32 $0x380, s15;
	[sflag:s16] =	ssyncadd.s32 $0xFFFF6000  }
0xc6: {  	s15 =	sor.u32 s15, s23;
	v4 =	vld [tilespmem:s22+$0x100]  }
0xc7: {  	v3 =	vld [tilespmem:s15+$0x5D70]  }
0xc8: {  	v6 =	vld [tilespmem:s15+$0x5100]  }
0xc9: {  	v7 =	vld [tilespmem:s15+$0x5110]  }
0xca: {  	v8 =	vld [tilespmem:s15+$0x5120]  }
0xcb: {  	v9 =	vld [tilespmem:s15+$0x5130]  }
0xcc: {  	v10 =	vld [tilespmem:s15+$0x5140]  }
0xcd: {  	v11 =	vld [tilespmem:s15+$0x5150]  }
0xce: {  	v12 =	vld [tilespmem:s15+$0x5160]  }
0xcf: {  	v13 =	vld [tilespmem:s15+$0x5170]  }
0xd0: {  	v14 =	vld [tilespmem:s15+$0x5500]  }
0xd1: {  	v15 =	vld [tilespmem:s15+$0x5510]  }
0xd2: {  	v16 =	vld [tilespmem:s15+$0x5520]  }
0xd3: {  	v17 =	vld [tilespmem:s15+$0x5530]  }
0xd4: {  	v19 =	vld [tilespmem:s15+$0x5540];
	v3 =	vmul.f32 v3, v4;
	v6 =	vmul.f32 v6, v4  }
0xd5: {  	v5 =	vimm.f32 $0.0e+00;
	v35 =	vimm.f32 $0.0e+00;
	v20 =	vld [tilespmem:s15+$0x5550];
	v7 =	vmul.f32 v7, v4  }
0xd6: {  	v21 =	vld [tilespmem:s15+$0x5560];
	v8 =	vmul.f32 v8, v4;
	v3 =	vadd.f32 v3, v5;
	v33 =	vadd.f32 v6, v5  }
0xd7: {  	v29 =	vld [tilespmem:s15+$0x5960];
	v6 =	vmul.f32 v9, v4;
	v9 =	vmul.f32 v10, v4;
	v34 =	vadd.f32 v7, v5  }
0xd8: {  	v10 =	vld [tilespmem:s15+$0x5570];
	v30 =	vadd.f32 v8, v5;
	v7 =	vmul.f32 v11, v4;
	v11 =	vmul.f32 v14, v4  }
0xd9: {  	v8 =	vld [tilespmem:s15+$0x5900];
	v31 =	vadd.f32 v6, v5;
	v23 =	vadd.f32 v9, v5;
	v6 =	vmul.f32 v12, v4  }
0xda: {  	v9 =	vld [tilespmem:s15+$0x5910];
	v24 =	vadd.f32 v7, v5;
	v7 =	vmul.f32 v13, v4;
	v13 =	vmul.f32 v16, v4  }
0xdb: {  	v12 =	vld [tilespmem:s15+$0x5920];
	v25 =	vadd.f32 v11, v5;
	v28 =	vadd.f32 v6, v5;
	v6 =	vmul.f32 v15, v4  }
0xdc: {  	v11 =	vld [tilespmem:s15+$0x5940];
	v32 =	vadd.f32 v7, v5;
	v7 =	vmul.f32 v17, v4;
	v18 =	vadd.f32 v13, v5  }
0xdd: {  	v14 =	vld [tilespmem:s15+$0x5930];
	v15 =	vmul.f32 v21, v4;
	v26 =	vadd.f32 v6, v5;
	v6 =	vmul.f32 v19, v4  }
0xde: {  	v13 =	vld [tilespmem:s15+$0x5950];
	v8 =	vmul.f32 v8, v4;
	v19 =	vadd.f32 v7, v5;
	v7 =	vmul.f32 v20, v4  }
0xdf: {  	v20 =	vadd.f32 v15, v5;
	v22 =	vadd.f32 v6, v5;
	v6 =	vmul.f32 v10, v4;
	v10 =	vld [tilespmem:s15+$0x5970]  }
0xe0: {  	v15 =	vld [tilespmem:s15+$0x5D00];
	v17 =	vadd.f32 v8, v5;
	v27 =	vadd.f32 v7, v5;
	v7 =	vmul.f32 v9, v4  }
0xe1: {  	v8 =	vmul.f32 v11, v4;
	v21 =	vadd.f32 v6, v5;
	v6 =	vmul.f32 v12, v4  }
0xe2: {  	v9 =	vmul.f32 v29, v4;
	v12 =	vld [tilespmem:s15+$0x5D10];
	v16 =	vadd.f32 v7, v5;
	v7 =	vmul.f32 v14, v4  }
0xe3: {  	v40 =	vld [tilespmem:s15+$0x5D20];
	v29 =	vimm.f32 $0.0e+00;
	v11 =	vadd.f32 v8, v5;
	v14 =	vadd.f32 v6, v5  }
0xe4: {  	v39 =	vld [tilespmem:s15+$0x5D30];
	v6 =	vmul.f32 v13, v4;
	v13 =	vadd.f32 v7, v5;
	v7 =	vmul.f32 v10, v4  }
0xe5: {  	s24 =	simm.s32 $0x200;
	v37 =	vld [tilespmem:s15+$0x5D40];
	v9 =	vadd.f32 v9, v5;
	v44 =	vmul.f32 v15, v4;
	v15 =	vimm.f32 $0.0e+00  }
0xe6: {  	s24 =	sand.u32 $0xF000, s24;
	s21 =	simm.s32 $0x80;
	v36 =	vld [tilespmem:s15+$0x5D50];
	v10 =	vadd.f32 v6, v5;
	v6 =	vimm.f32 $0.0e+00;
	v8 =	vadd.f32 v7, v5  }
0xe7: {  	s23 =	simm.s32 $0x80;
	s13 =	sand.u32 $0x380, s21;
	v38 =	vld [tilespmem:s15+$0x5D60];
	s15 =	simm.s32 $0x400;
	v43 =	vmul.f32 v12, v4;
	v12 =	vimm.f32 $0.0e+00;
	v7 =	vimm.f32 $0.0e+00  }
.LBB2_3:
0xe8: {  	p0 =	sne.s32 s15, $0x9E00;
	v41 =	vld [tilespmem:s23+$0x100];
	s22 =	sor.u32 s13, s24;
	v5 =	vadd.f32 v44, v5;
	v40 =	vmul.f32 v40, v4  }
0xe9: {  	v42 =	vld [tilespmem:s22+$0x5D70];
	v35 =	vadd.f32 v43, v35;
	v39 =	vmul.f32 v39, v4  }
0xea: {  	v43 =	vld [tilespmem:s22+$0x5100];
	v29 =	vadd.f32 v40, v29;
	v37 =	vmul.f32 v37, v4  }
0xeb: {  	v40 =	vld [tilespmem:s22+$0x5110];
	v15 =	vadd.f32 v39, v15;
	v36 =	vmul.f32 v36, v4  }
0xec: {  	v39 =	vld [tilespmem:s22+$0x5120];
	v12 =	vadd.f32 v37, v12;
	v37 =	vmul.f32 v38, v4  }
0xed: {  	v38 =	vld [tilespmem:s22+$0x5130];
	v7 =	vadd.f32 v36, v7;
	v4 =	vmov v41  }
0xee: {  	v36 =	vld [tilespmem:s22+$0x5140];
	v41 =	vmul.f32 v42, v4;
	v6 =	vadd.f32 v37, v6  }
0xef: {  	v37 =	vmul.f32 v43, v4;
	v42 =	vld [tilespmem:s22+$0x5150]  }
0xf0: {  	v40 =	vmul.f32 v40, v4;
	v43 =	vld [tilespmem:s22+$0x5160];
	v3 =	vadd.f32 v41, v3  }
0xf1: {  	v33 =	vadd.f32 v37, v33;
	v37 =	vmul.f32 v39, v4;
	v39 =	vld [tilespmem:s22+$0x5170]  }
0xf2: {  	v34 =	vadd.f32 v40, v34;
	v38 =	vmul.f32 v38, v4;
	v40 =	vld [tilespmem:s22+$0x5500]  }
0xf3: {  	v30 =	vadd.f32 v37, v30;
	v36 =	vmul.f32 v36, v4;
	v37 =	vld [tilespmem:s22+$0x5510]  }
0xf4: {  	v31 =	vadd.f32 v38, v31;
	v38 =	vmul.f32 v42, v4;
	v41 =	vld [tilespmem:s22+$0x5520]  }
0xf5: {  	v23 =	vadd.f32 v36, v23;
	v36 =	vmul.f32 v43, v4;
	v42 =	vld [tilespmem:s22+$0x5530]  }
0xf6: {  	v24 =	vadd.f32 v38, v24;
	v38 =	vmul.f32 v39, v4;
	v39 =	vld [tilespmem:s22+$0x5540]  }
0xf7: {  	v28 =	vadd.f32 v36, v28;
	v36 =	vmul.f32 v40, v4;
	v40 =	vld [tilespmem:s22+$0x5550]  }
0xf8: {  	v32 =	vadd.f32 v38, v32;
	v37 =	vmul.f32 v37, v4;
	v38 =	vld [tilespmem:s22+$0x5560]  }
0xf9: {  	v25 =	vadd.f32 v36, v25;
	v36 =	vmul.f32 v41, v4;
	v41 =	vld [tilespmem:s22+$0x5570]  }
0xfa: {  	v26 =	vadd.f32 v37, v26;
	v37 =	vmul.f32 v42, v4;
	v42 =	vld [tilespmem:s22+$0x5900]  }
0xfb: {  	v18 =	vadd.f32 v36, v18;
	v36 =	vmul.f32 v39, v4;
	v39 =	vld [tilespmem:s22+$0x5910]  }
0xfc: {  	v19 =	vadd.f32 v37, v19;
	v37 =	vmul.f32 v40, v4;
	v40 =	vld [tilespmem:s22+$0x5920]  }
0xfd: {  	v22 =	vadd.f32 v36, v22;
	v36 =	vmul.f32 v38, v4;
	v38 =	vld [tilespmem:s22+$0x5930]  }
0xfe: {  	v27 =	vadd.f32 v37, v27;
	v37 =	vmul.f32 v41, v4;
	v41 =	vld [tilespmem:s22+$0x5940]  }
0xff: {  	v20 =	vadd.f32 v36, v20;
	v36 =	vmul.f32 v42, v4;
	v42 =	vld [tilespmem:s22+$0x5950]  }
0x100: {  	v21 =	vadd.f32 v37, v21;
	v37 =	vmul.f32 v39, v4;
	v39 =	vld [tilespmem:s22+$0x5960]  }
0x101: {  	v17 =	vadd.f32 v36, v17;
	v36 =	vmul.f32 v40, v4;
	v43 =	vld [tilespmem:s22+$0x5970]  }
0x102: {  	v16 =	vadd.f32 v37, v16;
	v37 =	vmul.f32 v38, v4;
	v38 =	vld [tilespmem:s22+$0x5D00]  }
0x103: {  	v14 =	vadd.f32 v36, v14;
	v36 =	vmul.f32 v41, v4;
	v41 =	vld [tilespmem:s22+$0x5D10]  }
.Ltmp0:
0x104: {  	v13 =	vadd.f32 v37, v13;
	v37 =	vmul.f32 v42, v4;
	v40 =	vld [tilespmem:s22+$0x5D20];
	(pc) =	sbr.rel @p0 .LBB2_3-.Ltmp0, $4  }
0x105: {  	v11 =	vadd.f32 v36, v11;
	v36 =	vmul.f32 v39, v4;
	v39 =	vld [tilespmem:s22+$0x5D30]  }
0x106: {  	v10 =	vadd.f32 v37, v10;
	v42 =	vmul.f32 v43, v4;
	v37 =	vld [tilespmem:s22+$0x5D40]  }
0x107: {  	s23 =	sshra.s32 s15, $0x2;
	s21 =	sadd.s32 $0x80, s21;
	v9 =	vadd.f32 v36, v9;
	v44 =	vmul.f32 v38, v4;
	v36 =	vld [tilespmem:s22+$0x5D50]  }
0x108: {  	s24 =	sand.u32 $0xF000, s15;
	s15 =	sadd.s32 $0x200, s15;
	s13 =	sand.u32 $0x380, s21;
	v8 =	vadd.f32 v42, v8;
	v43 =	vmul.f32 v41, v4;
	v38 =	vld [tilespmem:s22+$0x5D60]  }
0x109: {  	s13 =	sor.u32 s13, s24  }
0x10a: {  	v42 =	vld [tilespmem:s13+$0x5960];
	_ =	sdelay $0x3  }
0x10b: {  	v41 =	vld [tilespmem:s23+$0x100]  }
0x10c: {  	[tilespmem:$0x1FF50] =	vst v42;
	v42 =	vld [tilespmem:s13+$0x5970]  }
0x10d: {  	v0 =	vld [tilespmem:s13+$0x5D70]  }
0x10e: {  	v45 =	vld [tilespmem:s13+$0x5100]  }
0x10f: {  	v46 =	vld [tilespmem:s13+$0x5110]  }
0x110: {  	v47 =	vld [tilespmem:s13+$0x5120]  }
0x111: {  	[tilespmem:$0x1FF60] =	vst v42;
	v42 =	vld [tilespmem:s13+$0x5D00]  }
0x112: {  	v48 =	vld [tilespmem:s13+$0x5130]  }
0x113: {  	v49 =	vld [tilespmem:s13+$0x5140]  }
0x114: {  	v50 =	vld [tilespmem:s13+$0x5150]  }
0x115: {  	v51 =	vld [tilespmem:s13+$0x5160]  }
0x116: {  	[tilespmem:$0x1FF70] =	vst v42;
	v42 =	vld [tilespmem:s13+$0x5D10]  }
0x117: {  	v52 =	vld [tilespmem:s13+$0x5170]  }
0x118: {  	v53 =	vld [tilespmem:s13+$0x5500]  }
0x119: {  	v54 =	vld [tilespmem:s13+$0x5510]  }
0x11a: {  	v55 =	vld [tilespmem:s13+$0x5520]  }
0x11b: {  	[tilespmem:$0x1FF80] =	vst v42;
	v42 =	vld [tilespmem:s13+$0x5D20]  }
0x11c: {  	v56 =	vld [tilespmem:s13+$0x5530]  }
0x11d: {  	v57 =	vld [tilespmem:s13+$0x5540]  }
0x11e: {  	v58 =	vld [tilespmem:s13+$0x5550]  }
0x11f: {  	v59 =	vld [tilespmem:s13+$0x5560]  }
0x120: {  	[tilespmem:$0x1FF90] =	vst v42;
	v42 =	vld [tilespmem:s13+$0x5D30]  }
0x121: {  	v2 =	vld [tilespmem:s13+$0x5940]  }
0x122: {  	v60 =	vld [tilespmem:s13+$0x5570]  }
0x123: {  	v61 =	vld [tilespmem:s13+$0x5900]  }
0x124: {  	v62 =	vld [tilespmem:s13+$0x5910]  }
0x125: {  	[tilespmem:$0x1FFA0] =	vst v42;
	v42 =	vld [tilespmem:s13+$0x5D40]  }
0x126: {  	v1 =	vld [tilespmem:s13+$0x5950];
	v2 =	vmul.f32 v2, v41  }
0x127: {  	[tilespmem:$0x1FFC0] =	vst v0;
	v0 =	vld [tilespmem:s13+$0x5930];
	v45 =	vmul.f32 v45, v41  }
0x128: {  	v46 =	vmul.f32 v46, v41;
	v2 =	vadd.f32 v2, v11;
	v11 =	vld [tilespmem:$0x1FF50]  }
0x129: {  	v63 =	vld [tilespmem:s13+$0x5920];
	v33 =	vadd.f32 v45, v33;
	v45 =	vmul.f32 v47, v41  }
0x12a: {  	v49 =	vmul.f32 v49, v41;
	v47 =	vld [tilespmem:s13+$0x5D50];
	v34 =	vadd.f32 v46, v34;
	v46 =	vmul.f32 v48, v41;
	[tilespmem:$0x1FFB0] =	vst v42  }
0x12b: {  	v1 =	vmul.f32 v1, v41;
	v30 =	vadd.f32 v45, v30;
	v42 =	vld [tilespmem:s13+$0x5D60];
	[tilespmem:$0x19100] =	vst v33  }
0x12c: {  	v50 =	vmul.f32 v50, v41;
	v23 =	vadd.f32 v49, v23;
	v31 =	vadd.f32 v46, v31;
	[tilespmem:$0x19110] =	vst v34  }
0x12d: {  	v1 =	vadd.f32 v1, v10;
	v0 =	vmul.f32 v0, v41;
	v10 =	vld [tilespmem:$0x1FF60];
	v11 =	vmul.f32 v11, v41;
	[tilespmem:$0x19120] =	vst v30  }
0x12e: {  	v24 =	vadd.f32 v50, v24;
	[tilespmem:$0x19130] =	vst v31  }
0x12f: {  	v0 =	vadd.f32 v0, v13;
	v9 =	vadd.f32 v11, v9;
	v11 =	vld [tilespmem:$0x1FF70];
	[tilespmem:$0x19140] =	vst v23;
	v23 =	vmul.f32 v53, v41  }
0x130: {  	[tilespmem:$0x19150] =	vst v24  }
0x131: {  	v24 =	vmul.f32 v54, v41;
	[tilespmem:$0x19230] =	vst v0;
	v23 =	vadd.f32 v23, v25;
	v25 =	vmul.f32 v55, v41  }
0x132: {  	v10 =	vmul.f32 v10, v41;
	[tilespmem:$0x19240] =	vst v2  }
0x133: {  	[tilespmem:$0x19250] =	vst v1;
	v24 =	vadd.f32 v24, v26;
	v26 =	vmul.f32 v56, v41;
	v18 =	vadd.f32 v25, v18  }
0x134: {  	v5 =	vadd.f32 v44, v5;
	v8 =	vadd.f32 v10, v8;
	v11 =	vmul.f32 v11, v41;
	[tilespmem:$0x19260] =	vst v9  }
0x135: {  	v10 =	vld [tilespmem:$0x1FF80];
	v19 =	vadd.f32 v26, v19;
	[tilespmem:$0x191A0] =	vst v18;
	v18 =	vmul.f32 v59, v41  }
0x136: {  	v5 =	vadd.f32 v11, v5;
	v30 =	vmul.f32 v51, v41;
	[tilespmem:$0x19270] =	vst v8  }
0x137: {  	v11 =	vld [tilespmem:$0x1FF90];
	[tilespmem:$0x191B0] =	vst v19;
	v19 =	vmul.f32 v60, v41;
	v18 =	vadd.f32 v18, v20  }
0x138: {  	[tilespmem:$0x19280] =	vst v5;
	v28 =	vadd.f32 v30, v28;
	v20 =	vmul.f32 v61, v41  }
0x139: {  	v19 =	vadd.f32 v19, v21;
	[tilespmem:$0x191E0] =	vst v18;
	v18 =	vmul.f32 v63, v41  }
0x13a: {  	v10 =	vmul.f32 v10, v41;
	[tilespmem:$0x19160] =	vst v28;
	v17 =	vadd.f32 v20, v17  }
0x13b: {  	v1 =	vmul.f32 v36, v4;
	[tilespmem:$0x191F0] =	vst v19;
	v19 =	vmul.f32 v40, v4;
	v14 =	vadd.f32 v18, v14  }
0x13c: {  	v11 =	vmul.f32 v11, v41;
	v31 =	vmul.f32 v52, v41;
	[tilespmem:$0x19200] =	vst v17;
	v17 =	vadd.f32 v43, v35  }
0x13d: {  	v5 =	vmul.f32 v47, v41;
	v1 =	vadd.f32 v1, v7;
	[tilespmem:$0x19220] =	vst v14;
	v14 =	vadd.f32 v19, v29  }
0x13e: {  	v30 =	vadd.f32 v31, v32;
	[tilespmem:$0x19180] =	vst v23;
	v23 =	vmul.f32 v57, v41;
	v9 =	vadd.f32 v10, v17;
	v10 =	vld [tilespmem:$0x1FFA0]  }
0x13f: {  	[tilespmem:$0x19190] =	vst v24;
	v24 =	vmul.f32 v58, v41;
	v1 =	vadd.f32 v5, v1;
	v8 =	vadd.f32 v11, v14;
	v11 =	vld [tilespmem:$0x1FFB0]  }
0x140: {  	[tilespmem:$0x19170] =	vst v30;
	v22 =	vadd.f32 v23, v22;
	v21 =	vmul.f32 v62, v41  }
0x141: {  	v13 =	vmul.f32 v39, v4;
	v7 =	vld [tilespmem:$0x1FFC0];
	v23 =	vadd.f32 v24, v27;
	[tilespmem:$0x192D0] =	vst v1  }
0x142: {  	v0 =	vmul.f32 v37, v4;
	[tilespmem:$0x191C0] =	vst v22;
	v16 =	vadd.f32 v21, v16  }
0x143: {  	v2 =	vadd.f32 v13, v15;
	[tilespmem:$0x191D0] =	vst v23;
	v4 =	vmul.f32 v38, v4;
	v10 =	vmul.f32 v10, v41  }
0x144: {  	v0 =	vadd.f32 v0, v12;
	[tilespmem:$0x19210] =	vst v16;
	v11 =	vmul.f32 v11, v41  }
0x145: {  	v4 =	vadd.f32 v4, v6;
	v6 =	vmul.f32 v42, v41;
	[tilespmem:$0x19290] =	vst v9;
	v2 =	vadd.f32 v10, v2  }
0x146: {  	v7 =	vmul.f32 v7, v41;
	[tilespmem:$0x192A0] =	vst v8;
	v0 =	vadd.f32 v11, v0  }
0x147: {  	s24 =	sshll.u32 s19, $0x5;
	[tilespmem:$0x192B0] =	vst v2;
	v2 =	vadd.f32 v6, v4  }
0x148: {  	s15 =	sshll.u32 s11, $0x6;
	s13 =	sand.u32 $0x60, s24;
	[tilespmem:$0x192C0] =	vst v0;
	v0 =	vadd.f32 v7, v3  }
0x149: {  	s15 =	sand.u32 $0x3FE00, s15;
	s13 =	sadd.s32 s3, s13;
	[tilespmem:$0x192E0] =	vst v2  }
0x14a: {  	s21 =	smin.u32 s11, $0xFFD;
	s13 =	sadd.s32 s15, s13;
	[tilespmem:$0x192F0] =	vst v0  }
0x14b: {  	[hbm4b:s13+s9] =	stream.strided.scatter [tilespmem:s17], [sflag:$0x3], $0x200, s4, s9, $0x38;
	[tilespmem:$0x19300] =	vst v63  }
0x14c: {  	s22 =	sadd.s32 $0x2, s21;
	_ =	swait.ge [sflag:s12], $0x200  }
0x14d: {  	s11 =	sshll.u32 s22, $0x4;
	[sflag:s12] =	ssyncset.done $0x0  }
0x14e: {  	s23 =	sadd.s32 s6, s11;
	s11 =	simm.s32 $0x0;
	[sflag:s12] =	ssyncadd.s32 $0xFFFFFE00  }
0x14f: {  	[tilespmem:s11], [sflag:$0x3] =	stream.linear.gather [hbm4b:s23+s11], $0x80, $0x38;
	[tilespmem:$0x19300] =	vst v63  }
0x150: {  	s13 =	smul.u32 $0x500, s22;
	_ =	swait.ge [sflag:s12], $0x80  }
0x151: {  	[sflag:s12] =	ssyncset.done $0x0  }
0x152: {  	s24 =	simm.s32 $0x100;
	s13 =	sadd.s32 s7, s13;
	[sflag:s12] =	ssyncadd.s32 $0xFFFFFF80  }
0x153: {  	[tilespmem:s24], [sflag:$0x3] =	stream.linear.gather [hbm4b:s13+s11], $0x2800, $0x38;
	[tilespmem:$0x19300] =	vst v63  }
0x154: {  	_ =	swait.ge [sflag:s12], $0x2800  }
0x155: {  	[sflag:s12] =	ssyncset.done $0x0  }
0x156: {  	[sflag:s12] =	ssyncadd.s32 $0xFFFFD800  }
0x157: {  	v0 =	vld [tilespmem:$0x0];
	_ =	sdelay $0x2  }
0x158: {  	v2 =	vld [tilespmem:$0x1FFD0];
	_ =	sdelay $0x1  }
0x159: {  	v3 =	vld [tilespmem:$0x1FFE0];
	v1 =	vshll.u32 v0, $0x2  }
0x15a: {  	v0 =	vand.u32 $0x7, v0;
	v1 =	vand.u32 $0xFFFFFFE0, v1  }
0x15b: {  	v4 =	vld [tilespmem:$0x1FFF0];
	v0 =	vor.u32 v0, v1  }
0x15c: {  	v1 =	vperm.xlane v0, v2;
	_ =	sdelay $0x1  }
0x15d: {  	v1 =	vadd.s32 v3, v1;
	_ =	sdelay $0x1  }
0x15e: {  	v0 =	vperm.xlane v0, v4;
	_ =	sdelay $0x1  }
0x15f: {  	s21 =	simm.s32 $0x5100;
	v0 =	vadd.s32 v3, v0  }
0x160: {  	[tilespmem:s21], [sflag:$0x1] =	stream.indirect_vreg.gather [hbm4b:s1+s11], $0x80, v1, vm0, $0xb8;
	[tilespmem:$0x19300] =	vst v63  }
0x161: {  	s22 =	simm.s32 $0x5900  }
0x162: {  	[tilespmem:s22], [sflag:$0x1] =	stream.indirect_vreg.gather [hbm4b:s10+s11], $0x80, v1, vm0, $0xb8;
	[tilespmem:$0x19300] =	vst v63  }
0x163: {  	s23 =	simm.s32 $0x6100  }
0x164: {  	[tilespmem:s23], [sflag:$0x1] =	stream.indirect_vreg.gather [hbm4b:s1+s11], $0x80, v0, vm0, $0xb8;
	[tilespmem:$0x19300] =	vst v63  }
0x165: {  	s24 =	simm.s32 $0x6900  }
0x166: {  	[tilespmem:s24], [sflag:$0x1] =	stream.indirect_vreg.gather [hbm4b:s10+s11], $0x80, v0, vm0, $0xb8;
	[tilespmem:$0x19300] =	vst v63  }
0x167: {  	v0 =	vld [tilespmem:$0x10];
	_ =	sdelay $0x4  }
0x168: {  	v1 =	vshll.u32 v0, $0x2  }
0x169: {  	v0 =	vand.u32 $0x7, v0;
	v1 =	vand.u32 $0xFFFFFFE0, v1  }
0x16a: {  	v0 =	vor.u32 v0, v1  }
0x16b: {  	v1 =	vperm.xlane v0, v2;
	_ =	sdelay $0x1  }
0x16c: {  	v1 =	vadd.s32 v3, v1;
	_ =	sdelay $0x1  }
0x16d: {  	v0 =	vperm.xlane v0, v4;
	_ =	sdelay $0x1  }
0x16e: {  	s15 =	simm.s32 $0x7100;
	v0 =	vadd.s32 v3, v0  }
0x16f: {  	[tilespmem:s15], [sflag:$0x1] =	stream.indirect_vreg.gather [hbm4b:s1+s11], $0x80, v1, vm0, $0xb8;
	[tilespmem:$0x19300] =	vst v63  }
0x170: {  	s21 =	simm.s32 $0x7900  }
0x171: {  	[tilespmem:s21], [sflag:$0x1] =	stream.indirect_vreg.gather [hbm4b:s10+s11], $0x80, v1, vm0, $0xb8;
	[tilespmem:$0x19300] =	vst v63  }
0x172: {  	s22 =	simm.s32 $0x8100  }
0x173: {  	[tilespmem:s22], [sflag:$0x1] =	stream.indirect_vreg.gather [hbm4b:s1+s11], $0x80, v0, vm0, $0xb8;
	[tilespmem:$0x19300] =	vst v63  }
0x174: {  	s23 =	simm.s32 $0x8900  }
0x175: {  	[tilespmem:s23], [sflag:$0x1] =	stream.indirect_vreg.gather [hbm4b:s10+s11], $0x80, v0, vm0, $0xb8;
	[tilespmem:$0x19300] =	vst v63  }
0x176: {  	v0 =	vld [tilespmem:$0x20];
	_ =	sdelay $0x4  }
0x177: {  	v1 =	vshll.u32 v0, $0x2  }
0x178: {  	v0 =	vand.u32 $0x7, v0;
	v1 =	vand.u32 $0xFFFFFFE0, v1  }
0x179: {  	v0 =	vor.u32 v0, v1  }
0x17a: {  	v1 =	vperm.xlane v0, v2;
	_ =	sdelay $0x1  }
0x17b: {  	v1 =	vadd.s32 v3, v1;
	_ =	sdelay $0x1  }
0x17c: {  	v0 =	vperm.xlane v0, v4;
	_ =	sdelay $0x1  }
0x17d: {  	s24 =	simm.s32 $0x9100;
	v0 =	vadd.s32 v3, v0  }
0x17e: {  	[tilespmem:s24], [sflag:$0x1] =	stream.indirect_vreg.gather [hbm4b:s1+s11], $0x80, v1, vm0, $0xb8;
	[tilespmem:$0x19300] =	vst v63  }
0x17f: {  	s15 =	simm.s32 $0x9900  }
0x180: {  	[tilespmem:s15], [sflag:$0x1] =	stream.indirect_vreg.gather [hbm4b:s10+s11], $0x80, v1, vm0, $0xb8;
	[tilespmem:$0x19300] =	vst v63  }
0x181: {  	s21 =	simm.s32 $0xA100  }
0x182: {  	[tilespmem:s21], [sflag:$0x1] =	stream.indirect_vreg.gather [hbm4b:s1+s11], $0x80, v0, vm0, $0xb8;
	[tilespmem:$0x19300] =	vst v63  }
0x183: {  	_ = 	snop  }
0x184: {  	[tilespmem:s25], [sflag:$0x1] =	stream.indirect_vreg.gather [hbm4b:s10+s11], $0x80, v0, vm0, $0xb8;
	[tilespmem:$0x19300] =	vst v63  }
0x185: {  	v0 =	vld [tilespmem:$0x30];
	_ =	sdelay $0x4  }
0x186: {  	v1 =	vshll.u32 v0, $0x2  }
0x187: {  	v0 =	vand.u32 $0x7, v0;
	v1 =	vand.u32 $0xFFFFFFE0, v1  }
0x188: {  	v0 =	vor.u32 v0, v1  }
0x189: {  	v1 =	vperm.xlane v0, v2;
	_ =	sdelay $0x1  }
0x18a: {  	v1 =	vadd.s32 v3, v1;
	_ =	sdelay $0x1  }
0x18b: {  	v0 =	vperm.xlane v0, v4;
	_ =	sdelay $0x1  }
0x18c: {  	v0 =	vadd.s32 v3, v0  }
0x18d: {  	[tilespmem:s26], [sflag:$0x1] =	stream.indirect_vreg.gather [hbm4b:s1+s11], $0x80, v1, vm0, $0xb8;
	[tilespmem:$0x19300] =	vst v63  }
0x18e: {  	_ = 	snop  }
0x18f: {  	[tilespmem:s28], [sflag:$0x1] =	stream.indirect_vreg.gather [hbm4b:s10+s11], $0x80, v1, vm0, $0xb8;
	[tilespmem:$0x19300] =	vst v63  }
0x190: {  	_ = 	snop  }
0x191: {  	[tilespmem:s29], [sflag:$0x1] =	stream.indirect_vreg.gather [hbm4b:s1+s11], $0x80, v0, vm0, $0xb8;
	[tilespmem:$0x19300] =	vst v63  }
0x192: {  	_ = 	snop  }
0x193: {  	[tilespmem:s30], [sflag:$0x1] =	stream.indirect_vreg.gather [hbm4b:s10+s11], $0x80, v0, vm0, $0xb8;
	[tilespmem:$0x19300] =	vst v63  }
0x194: {  	v0 =	vld [tilespmem:$0x40];
	_ =	sdelay $0x4  }
0x195: {  	v1 =	vshll.u32 v0, $0x2  }
0x196: {  	v0 =	vand.u32 $0x7, v0;
	v1 =	vand.u32 $0xFFFFFFE0, v1  }
0x197: {  	v0 =	vor.u32 v0, v1  }
0x198: {  	v1 =	vperm.xlane v0, v2;
	_ =	sdelay $0x1  }
0x199: {  	v1 =	vadd.s32 v3, v1;
	_ =	sdelay $0x1  }
0x19a: {  	v0 =	vperm.xlane v0, v4;
	_ =	sdelay $0x1  }
0x19b: {  	v0 =	vadd.s32 v3, v0  }
0x19c: {  	[tilespmem:s31], [sflag:$0x1] =	stream.indirect_vreg.gather [hbm4b:s1+s11], $0x80, v1, vm0, $0xb8;
	[tilespmem:$0x19300] =	vst v63  }
0x19d: {  	_ = 	snop  }
0x19e: {  	[tilespmem:s0], [sflag:$0x1] =	stream.indirect_vreg.gather [hbm4b:s10+s11], $0x80, v1, vm0, $0xb8;
	[tilespmem:$0x19300] =	vst v63  }
0x19f: {  	_ = 	snop  }
0x1a0: {  	[tilespmem:s2], [sflag:$0x1] =	stream.indirect_vreg.gather [hbm4b:s1+s11], $0x80, v0, vm0, $0xb8;
	[tilespmem:$0x19300] =	vst v63  }
0x1a1: {  	_ = 	snop  }
0x1a2: {  	[tilespmem:s8], [sflag:$0x1] =	stream.indirect_vreg.gather [hbm4b:s10+s11], $0x80, v0, vm0, $0xb8;
	[tilespmem:$0x19300] =	vst v63  }
0x1a3: {  	_ =	swait.ge [sflag:s18], $0xA000  }
0x1a4: {  	s22 =	simm.s32 $0x0;
	[sflag:s18] =	ssyncset.done $0x0  }
0x1a5: {  	s23 =	sand.u32 $0xF000, s11;
	s11 =	sand.u32 $0x380, s11;
	[sflag:s18] =	ssyncadd.s32 $0xFFFF6000  }
0x1a6: {  	s15 =	sor.u32 s11, s23;
	v4 =	vld [tilespmem:s22+$0x2900]  }
0x1a7: {  	v0 =	vld [tilespmem:s15+$0xFD70]  }
0x1a8: {  	v1 =	vld [tilespmem:s15+$0xF100]  }
0x1a9: {  	v2 =	vld [tilespmem:s15+$0xF110]  }
0x1aa: {  	v6 =	vld [tilespmem:s15+$0xF120]  }
0x1ab: {  	v7 =	vld [tilespmem:s15+$0xF130]  }
0x1ac: {  	v8 =	vld [tilespmem:s15+$0xF140]  }
0x1ad: {  	v9 =	vld [tilespmem:s15+$0xF150]  }
0x1ae: {  	v10 =	vld [tilespmem:s15+$0xF160]  }
0x1af: {  	v11 =	vld [tilespmem:s15+$0xF170]  }
0x1b0: {  	v12 =	vld [tilespmem:s15+$0xF500]  }
0x1b1: {  	v13 =	vld [tilespmem:s15+$0xF510]  }
0x1b2: {  	v14 =	vld [tilespmem:s15+$0xF520]  }
0x1b3: {  	v15 =	vld [tilespmem:s15+$0xF530]  }
0x1b4: {  	v5 =	vimm.f32 $0.0e+00;
	v16 =	vld [tilespmem:s15+$0xF540];
	v0 =	vmul.f32 v0, v4  }
0x1b5: {  	v35 =	vimm.f32 $0.0e+00;
	v29 =	vimm.f32 $0.0e+00;
	v17 =	vld [tilespmem:s15+$0xF550];
	v1 =	vmul.f32 v1, v4  }
0x1b6: {  	v2 =	vmul.f32 v2, v4;
	v3 =	vadd.f32 v0, v5;
	v0 =	vmul.f32 v6, v4;
	v6 =	vld [tilespmem:s15+$0xF560]  }
0x1b7: {  	v33 =	vadd.f32 v1, v5;
	v1 =	vmul.f32 v7, v4;
	v7 =	vmul.f32 v8, v4;
	v8 =	vld [tilespmem:s15+$0xF570]  }
0x1b8: {  	v34 =	vadd.f32 v2, v5;
	v2 =	vld [tilespmem:s15+$0xF900];
	v30 =	vadd.f32 v0, v5;
	v0 =	vmul.f32 v9, v4  }
0x1b9: {  	v31 =	vadd.f32 v1, v5;
	v23 =	vadd.f32 v7, v5;
	v1 =	vmul.f32 v10, v4;
	v7 =	vld [tilespmem:s15+$0xF910]  }
0x1ba: {  	v9 =	vmul.f32 v12, v4;
	v10 =	vld [tilespmem:s15+$0xF920];
	v24 =	vadd.f32 v0, v5;
	v0 =	vmul.f32 v11, v4  }
0x1bb: {  	v12 =	vld [tilespmem:s15+$0xF930];
	v28 =	vadd.f32 v1, v5;
	v1 =	vmul.f32 v13, v4;
	v11 =	vmul.f32 v14, v4  }
0x1bc: {  	v25 =	vadd.f32 v9, v5;
	v9 =	vld [tilespmem:s15+$0xF940];
	v32 =	vadd.f32 v0, v5;
	v0 =	vmul.f32 v15, v4  }
0x1bd: {  	v13 =	vld [tilespmem:s15+$0xF960];
	v6 =	vmul.f32 v6, v4;
	v26 =	vadd.f32 v1, v5;
	v1 =	vmul.f32 v16, v4  }
0x1be: {  	v18 =	vadd.f32 v11, v5;
	v11 =	vld [tilespmem:s15+$0xF950];
	v19 =	vadd.f32 v0, v5;
	v0 =	vmul.f32 v17, v4  }
0x1bf: {  	v20 =	vadd.f32 v6, v5;
	v6 =	vld [tilespmem:s15+$0xFD00];
	v22 =	vadd.f32 v1, v5;
	v1 =	vmul.f32 v8, v4  }
0x1c0: {  	v2 =	vmul.f32 v2, v4;
	v15 =	vimm.f32 $0.0e+00;
	v8 =	vld [tilespmem:s15+$0xF970];
	v27 =	vadd.f32 v0, v5  }
0x1c1: {  	v0 =	vmul.f32 v7, v4;
	v21 =	vadd.f32 v1, v5;
	v1 =	vmul.f32 v10, v4  }
0x1c2: {  	v17 =	vadd.f32 v2, v5;
	v2 =	vld [tilespmem:s15+$0xFD10];
	v7 =	vmul.f32 v9, v4;
	v9 =	vmul.f32 v13, v4  }
0x1c3: {  	v40 =	vld [tilespmem:s15+$0xFD20];
	v16 =	vadd.f32 v0, v5;
	v0 =	vmul.f32 v12, v4;
	v14 =	vadd.f32 v1, v5  }
0x1c4: {  	v39 =	vld [tilespmem:s15+$0xFD30];
	v1 =	vmul.f32 v11, v4;
	v11 =	vadd.f32 v7, v5;
	v9 =	vadd.f32 v9, v5  }
0x1c5: {  	s24 =	simm.s32 $0x200;
	v37 =	vld [tilespmem:s15+$0xFD40];
	v44 =	vmul.f32 v6, v4;
	v13 =	vadd.f32 v0, v5;
	v0 =	vmul.f32 v8, v4  }
0x1c6: {  	s11 =	simm.s32 $0x80;
	s23 =	sand.u32 $0xF000, s24;
	v36 =	vld [tilespmem:s15+$0xFD50];
	v12 =	vimm.f32 $0.0e+00;
	v7 =	vimm.f32 $0.0e+00;
	v6 =	vimm.f32 $0.0e+00  }
0x1c7: {  	s13 =	sand.u32 $0x380, s11;
	s22 =	simm.s32 $0x80;
	v38 =	vld [tilespmem:s15+$0xFD60];
	s15 =	simm.s32 $0x400;
	v43 =	vmul.f32 v2, v4;
	v10 =	vadd.f32 v1, v5;
	v8 =	vadd.f32 v0, v5  }
.LBB2_5:
0x1c8: {  	p0 =	sne.s32 s15, $0x9E00;
	v0 =	vld [tilespmem:s22+$0x2900];
	s21 =	sor.u32 s13, s23;
	v5 =	vadd.f32 v44, v5;
	v1 =	vmul.f32 v40, v4  }
0x1c9: {  	v2 =	vld [tilespmem:s21+$0xFD70];
	v35 =	vadd.f32 v43, v35;
	v39 =	vmul.f32 v39, v4  }
0x1ca: {  	v40 =	vld [tilespmem:s21+$0xF100];
	v29 =	vadd.f32 v1, v29;
	v1 =	vmul.f32 v37, v4  }
0x1cb: {  	v37 =	vld [tilespmem:s21+$0xF110];
	v15 =	vadd.f32 v39, v15;
	v36 =	vmul.f32 v36, v4  }
0x1cc: {  	v39 =	vld [tilespmem:s21+$0xF120];
	v12 =	vadd.f32 v1, v12;
	v1 =	vmul.f32 v38, v4  }
0x1cd: {  	v38 =	vld [tilespmem:s21+$0xF130];
	v7 =	vadd.f32 v36, v7;
	v4 =	vmov v0  }
0x1ce: {  	v0 =	vld [tilespmem:s21+$0xF140];
	v2 =	vmul.f32 v2, v4;
	v6 =	vadd.f32 v1, v6  }
0x1cf: {  	v1 =	vmul.f32 v40, v4;
	v36 =	vld [tilespmem:s21+$0xF150]  }
0x1d0: {  	v37 =	vmul.f32 v37, v4;
	v40 =	vld [tilespmem:s21+$0xF160];
	v3 =	vadd.f32 v2, v3  }
0x1d1: {  	v33 =	vadd.f32 v1, v33;
	v1 =	vmul.f32 v39, v4;
	v2 =	vld [tilespmem:s21+$0xF170]  }
0x1d2: {  	v34 =	vadd.f32 v37, v34;
	v37 =	vmul.f32 v38, v4;
	v38 =	vld [tilespmem:s21+$0xF500]  }
0x1d3: {  	v30 =	vadd.f32 v1, v30;
	v0 =	vmul.f32 v0, v4;
	v1 =	vld [tilespmem:s21+$0xF510]  }
0x1d4: {  	v31 =	vadd.f32 v37, v31;
	v36 =	vmul.f32 v36, v4;
	v37 =	vld [tilespmem:s21+$0xF520]  }
0x1d5: {  	v23 =	vadd.f32 v0, v23;
	v0 =	vmul.f32 v40, v4;
	v39 =	vld [tilespmem:s21+$0xF530]  }
0x1d6: {  	v24 =	vadd.f32 v36, v24;
	v2 =	vmul.f32 v2, v4;
	v36 =	vld [tilespmem:s21+$0xF540]  }
0x1d7: {  	v28 =	vadd.f32 v0, v28;
	v0 =	vmul.f32 v38, v4;
	v38 =	vld [tilespmem:s21+$0xF550]  }
0x1d8: {  	v32 =	vadd.f32 v2, v32;
	v1 =	vmul.f32 v1, v4;
	v2 =	vld [tilespmem:s21+$0xF560]  }
0x1d9: {  	v25 =	vadd.f32 v0, v25;
	v0 =	vmul.f32 v37, v4;
	v37 =	vld [tilespmem:s21+$0xF570]  }
0x1da: {  	v26 =	vadd.f32 v1, v26;
	v1 =	vmul.f32 v39, v4;
	v39 =	vld [tilespmem:s21+$0xF900]  }
0x1db: {  	v18 =	vadd.f32 v0, v18;
	v0 =	vmul.f32 v36, v4;
	v36 =	vld [tilespmem:s21+$0xF910]  }
0x1dc: {  	v19 =	vadd.f32 v1, v19;
	v1 =	vmul.f32 v38, v4;
	v38 =	vld [tilespmem:s21+$0xF920]  }
0x1dd: {  	v22 =	vadd.f32 v0, v22;
	v0 =	vmul.f32 v2, v4;
	v2 =	vld [tilespmem:s21+$0xF930]  }
0x1de: {  	v27 =	vadd.f32 v1, v27;
	v1 =	vmul.f32 v37, v4;
	v37 =	vld [tilespmem:s21+$0xF940]  }
0x1df: {  	v20 =	vadd.f32 v0, v20;
	v0 =	vmul.f32 v39, v4;
	v39 =	vld [tilespmem:s21+$0xF950]  }
0x1e0: {  	v21 =	vadd.f32 v1, v21;
	v1 =	vmul.f32 v36, v4;
	v36 =	vld [tilespmem:s21+$0xF960]  }
0x1e1: {  	v17 =	vadd.f32 v0, v17;
	v0 =	vmul.f32 v38, v4;
	v38 =	vld [tilespmem:s21+$0xF970]  }
0x1e2: {  	v16 =	vadd.f32 v1, v16;
	v1 =	vmul.f32 v2, v4;
	v2 =	vld [tilespmem:s21+$0xFD00]  }
0x1e3: {  	v14 =	vadd.f32 v0, v14;
	v0 =	vmul.f32 v37, v4;
	v41 =	vld [tilespmem:s21+$0xFD10]  }
.Ltmp1:
0x1e4: {  	v13 =	vadd.f32 v1, v13;
	v1 =	vmul.f32 v39, v4;
	v40 =	vld [tilespmem:s21+$0xFD20];
	(pc) =	sbr.rel @p0 .LBB2_5-.Ltmp1, $4  }
0x1e5: {  	v11 =	vadd.f32 v0, v11;
	v0 =	vmul.f32 v36, v4;
	v39 =	vld [tilespmem:s21+$0xFD30]  }
0x1e6: {  	v10 =	vadd.f32 v1, v10;
	v1 =	vmul.f32 v38, v4;
	v37 =	vld [tilespmem:s21+$0xFD40]  }
0x1e7: {  	s22 =	sshra.s32 s15, $0x2;
	s11 =	sadd.s32 $0x80, s11;
	v9 =	vadd.f32 v0, v9;
	v44 =	vmul.f32 v2, v4;
	v36 =	vld [tilespmem:s21+$0xFD50]  }
0x1e8: {  	s23 =	sand.u32 $0xF000, s15;
	s15 =	sadd.s32 $0x200, s15;
	s13 =	sand.u32 $0x380, s11;
	v8 =	vadd.f32 v1, v8;
	v43 =	vmul.f32 v41, v4;
	v38 =	vld [tilespmem:s21+$0xFD60]  }
0x1e9: {  	v41 =	vld [tilespmem:s22+$0x2900];
	s11 =	sor.u32 s13, s23  }
0x1ea: {  	v42 =	vld [tilespmem:s11+$0xF960]  }
0x1eb: {  	v0 =	vld [tilespmem:s11+$0xFD70]  }
0x1ec: {  	v1 =	vld [tilespmem:s11+$0xF110]  }
0x1ed: {  	v2 =	vld [tilespmem:s11+$0xF120]  }
0x1ee: {  	v45 =	vld [tilespmem:s11+$0xF130]  }
0x1ef: {  	[tilespmem:$0x1FED0] =	vst v42;
	v42 =	vld [tilespmem:s11+$0xF970]  }
0x1f0: {  	v46 =	vld [tilespmem:s11+$0xF140]  }
0x1f1: {  	v47 =	vld [tilespmem:s11+$0xF150]  }
0x1f2: {  	v48 =	vld [tilespmem:s11+$0xF160]  }
0x1f3: {  	v49 =	vld [tilespmem:s11+$0xF170]  }
0x1f4: {  	[tilespmem:$0x1FEE0] =	vst v42;
	v42 =	vld [tilespmem:s11+$0xFD00]  }
0x1f5: {  	v50 =	vld [tilespmem:s11+$0xF500]  }
0x1f6: {  	v51 =	vld [tilespmem:s11+$0xF510]  }
0x1f7: {  	v52 =	vld [tilespmem:s11+$0xF520]  }
0x1f8: {  	v53 =	vld [tilespmem:s11+$0xF530]  }
0x1f9: {  	[tilespmem:$0x1FEF0] =	vst v42;
	v42 =	vld [tilespmem:s11+$0xFD10]  }
0x1fa: {  	v54 =	vld [tilespmem:s11+$0xF540]  }
0x1fb: {  	v55 =	vld [tilespmem:s11+$0xF550]  }
0x1fc: {  	v56 =	vld [tilespmem:s11+$0xF560]  }
0x1fd: {  	v57 =	vld [tilespmem:s11+$0xF570]  }
0x1fe: {  	[tilespmem:$0x1FF00] =	vst v42;
	v42 =	vld [tilespmem:s11+$0xFD20]  }
0x1ff: {  	v58 =	vld [tilespmem:s11+$0xF900]  }
0x200: {  	[tilespmem:$0x1FF40] =	vst v0;
	v0 =	vld [tilespmem:s11+$0xF100]  }
0x201: {  	v59 =	vld [tilespmem:s11+$0xF910]  }
0x202: {  	v60 =	vld [tilespmem:s11+$0xF920]  }
0x203: {  	[tilespmem:$0x1FF10] =	vst v42;
	v42 =	vld [tilespmem:s11+$0xFD30]  }
0x204: {  	v61 =	vld [tilespmem:s11+$0xF930]  }
0x205: {  	v62 =	vld [tilespmem:s11+$0xF940];
	v1 =	vmul.f32 v1, v41;
	v0 =	vmul.f32 v0, v41  }
0x206: {  	v63 =	vld [tilespmem:s11+$0xF950];
	v2 =	vmul.f32 v2, v41  }
0x207: {  	v1 =	vadd.f32 v1, v34;
	v34 =	vmul.f32 v45, v41;
	v45 =	vld [tilespmem:s11+$0xFD60];
	v0 =	vadd.f32 v0, v33  }
0x208: {  	v47 =	vmul.f32 v47, v41;
	v33 =	vld [tilespmem:s11+$0xFD50];
	[tilespmem:$0x1FF20] =	vst v42  }
0x209: {  	v48 =	vmul.f32 v48, v41;
	v2 =	vadd.f32 v2, v30;
	v42 =	vld [tilespmem:s11+$0xFD40];
	[tilespmem:$0x19100] =	vst v0  }
0x20a: {  	v51 =	vmul.f32 v51, v41;
	[tilespmem:$0x19110] =	vst v1;
	v1 =	vadd.f32 v47, v24  }
0x20b: {  	v52 =	vmul.f32 v52, v41;
	[tilespmem:$0x19120] =	vst v2;
	v2 =	vadd.f32 v48, v28  }
0x20c: {  	[tilespmem:$0x19150] =	vst v1;
	v1 =	vadd.f32 v51, v26  }
0x20d: {  	v24 =	vmul.f32 v55, v41;
	[tilespmem:$0x19160] =	vst v2;
	v2 =	vadd.f32 v52, v18  }
0x20e: {  	v26 =	vmul.f32 v57, v41;
	[tilespmem:$0x19190] =	vst v1  }
0x20f: {  	[tilespmem:$0x191A0] =	vst v2;
	v1 =	vadd.f32 v24, v27  }
0x210: {  	v28 =	vmul.f32 v59, v41;
	v47 =	vld [tilespmem:$0x1FEE0];
	v18 =	vadd.f32 v26, v21;
	[tilespmem:$0x1FF30] =	vst v42  }
0x211: {  	v42 =	vmul.f32 v46, v41;
	v46 =	vadd.f32 v34, v31;
	[tilespmem:$0x191D0] =	vst v1  }
0x212: {  	v49 =	vmul.f32 v49, v41;
	v1 =	vadd.f32 v28, v16;
	[tilespmem:$0x191F0] =	vst v18  }
0x213: {  	v31 =	vmul.f32 v61, v41;
	v0 =	vadd.f32 v42, v23;
	[tilespmem:$0x19130] =	vst v46  }
0x214: {  	v34 =	vmul.f32 v62, v41;
	v23 =	vadd.f32 v49, v32;
	[tilespmem:$0x19210] =	vst v1  }
0x215: {  	v16 =	vmul.f32 v47, v41;
	v13 =	vadd.f32 v31, v13;
	[tilespmem:$0x19140] =	vst v0  }
0x216: {  	v50 =	vmul.f32 v50, v41;
	v11 =	vadd.f32 v34, v11;
	[tilespmem:$0x19170] =	vst v23  }
0x217: {  	v5 =	vadd.f32 v44, v5;
	v53 =	vmul.f32 v53, v41;
	v44 =	vld [tilespmem:$0x1FED0];
	v8 =	vadd.f32 v16, v8;
	[tilespmem:$0x19230] =	vst v13  }
0x218: {  	v54 =	vmul.f32 v54, v41;
	v49 =	vld [tilespmem:$0x1FEF0];
	v0 =	vadd.f32 v50, v25;
	[tilespmem:$0x19240] =	vst v11  }
0x219: {  	v23 =	vadd.f32 v53, v19;
	v25 =	vmul.f32 v56, v41;
	v50 =	vld [tilespmem:$0x1FF00];
	[tilespmem:$0x19270] =	vst v8  }
0x21a: {  	v30 =	vmul.f32 v60, v41;
	v42 =	vmul.f32 v63, v41;
	v56 =	vld [tilespmem:$0x1FF30];
	[tilespmem:$0x19180] =	vst v0;
	v0 =	vadd.f32 v54, v22  }
0x21b: {  	v48 =	vmul.f32 v37, v4;
	v27 =	vmul.f32 v58, v41;
	[tilespmem:$0x191B0] =	vst v23;
	v2 =	vadd.f32 v25, v20  }
0x21c: {  	v55 =	vmul.f32 v38, v4;
	v52 =	vld [tilespmem:$0x1FF10];
	v32 =	vmul.f32 v40, v4;
	v10 =	vadd.f32 v42, v10;
	[tilespmem:$0x191C0] =	vst v0  }
0x21d: {  	v54 =	vld [tilespmem:$0x1FF20];
	v0 =	vadd.f32 v27, v17;
	[tilespmem:$0x191E0] =	vst v2;
	v2 =	vadd.f32 v30, v14;
	v14 =	vmul.f32 v44, v41  }
0x21e: {  	v40 =	vadd.f32 v43, v35;
	v53 =	vadd.f32 v48, v12;
	[tilespmem:$0x19250] =	vst v10;
	v11 =	vmul.f32 v50, v41  }
0x21f: {  	v8 =	vmul.f32 v56, v41;
	[tilespmem:$0x19200] =	vst v0;
	v9 =	vadd.f32 v14, v9;
	v14 =	vmul.f32 v49, v41  }
0x220: {  	v62 =	vld [tilespmem:$0x1FF40];
	v43 =	vmul.f32 v39, v4;
	v46 =	vadd.f32 v32, v29;
	[tilespmem:$0x19220] =	vst v2;
	v0 =	vadd.f32 v11, v40  }
0x221: {  	v60 =	vadd.f32 v8, v53;
	v5 =	vadd.f32 v14, v5;
	v14 =	vmul.f32 v52, v41;
	[tilespmem:$0x19260] =	vst v9  }
0x222: {  	v51 =	vmul.f32 v36, v4;
	v1 =	vadd.f32 v43, v15;
	v11 =	vmul.f32 v54, v41;
	[tilespmem:$0x19290] =	vst v0  }
0x223: {  	v59 =	vadd.f32 v55, v6;
	v61 =	vmul.f32 v45, v41;
	[tilespmem:$0x192C0] =	vst v60;
	v2 =	vadd.f32 v14, v46  }
0x224: {  	v57 =	vadd.f32 v51, v7;
	v58 =	vmul.f32 v33, v41;
	v1 =	vadd.f32 v11, v1;
	[tilespmem:$0x19280] =	vst v5  }
0x225: {  	v0 =	vadd.f32 v61, v59;
	[tilespmem:$0x192A0] =	vst v2;
	v2 =	vmul.f32 v62, v41  }
0x226: {  	s24 =	sshll.u32 s20, $0xC;
	v5 =	vadd.f32 v58, v57;
	[tilespmem:$0x192B0] =	vst v1  }
0x227: {  	s19 =	sadd.s32 $0x1, s19;
	s11 =	sor.u32 s24, s14;
	[tilespmem:$0x192E0] =	vst v0;
	v63 =	vadd.f32 v2, v3  }
0x228: {  	p0 =	sne.s32 s19, $0x40;
	s11 =	sshrl.u32 s11, $0x3;
	[tilespmem:$0x192D0] =	vst v5  }
.Ltmp2:
0x229: {  	s11 =	sadd.s32 s3, s11;
	[tilespmem:$0x192F0] =	vst v63;
	(pc) =	sbr.rel @p0 .LBB2_2-.Ltmp2, $4  }
0x22a: {  	[hbm4b:s11+s9] =	stream.strided.scatter [tilespmem:s17], [sflag:$0x3], $0x200, s4, s9, $0x38;
	[tilespmem:$0x19300] =	vst v63  }
0x22b: {  	_ =	swait.ge [sflag:s12], $0x200  }
0x22c: {  	[sflag:s12] =	ssyncset.done $0x0  }
0x22d: {  	[sflag:s12] =	ssyncadd.s32 $0xFFFFFE00  }
0x22e: {  	_ =	swait.ge [sflag:s16], $0xA000  }
0x22f: {  	s13 =	rddreg [dreg:$0x7]  }
0x230: {  	s11 =	rddreg [dreg:$0x6];
	s13 =	sadd.s32 $0x1, s13  }
0x231: {  	p0 =	sne.s32 s13, s11  }
.Ltmp3:
0x232: {  	_ = 	snop;
	(pc) =	sbr.rel @p0 .LBB2_1-.Ltmp3, $3  }
0x233: {  	_ =	sdelay $0x1  }
0x234: {  	[sflag:s16] =	ssyncset.done $0x0  }
0x235: {  	[sflag:s16] =	ssyncadd.s32 $0xFFFF6000  }
0x236: {  	_ =	sfence.sel $0x180000  }
0x237: {  	[bflag:$0x0] =	sbarrier.arrive $0xFFFF  }
0x238: {  	_ =	strace $0x90000047  }
0x239: {  	s0 =	stileid.u32;
	[bflag:$0x2] =	sbarrier.arrive $0xFFFF  }
0x23a: {  	p0 =	sne.s32 s0, $0x0;
	s0 =	rddreg [dreg:$0x3]  }
0x23b: {  	s0 =	sadd.s32 @!p0 $0x100000, s0  }
0x23c: {  	[sflag:s0] =	ssyncadd.tile.s32 @!p0 $0x1;
	_ =	shalt  }
.Lfunc_end2:
_tile_overlayer_lowered:
.L_overlay_start_2:
0x23d: {  	(tag) =	ssettag $0x2  }
0x23e: {  	s0 =	rddreg [dreg:$0x0];
	s2 =	stileid.u32  }
0x23f: {  	s1 =	rddreg [dreg:$0x1];
	p0 =	sne.s32 s2, $0x0  }
0x240: {  	s3 =	rddreg [dreg:$0x2];
	[bflag:$0x3] =	sbarrier.arrive $0xFFFF;
	s2 =	simm.s32 @!p0 $0x1C03  }
0x241: {  	[timem:s3], [sflag:s2] =	dma.local @!p0 [hbm:s0], s1  }
0x242: {  	s0 =	simm.s32 @!p0 $0x3  }
0x243: {  	_ =	swait.ge @!p0 [sflag:s0], s1  }
0x244: {  	s1 =	ssub.s32 @!p0 $0x0, s1;
	[sflag:s0] =	ssyncset.done @!p0 $0x0  }
0x245: {  	[sflag:s0] =	ssyncadd.s32 @!p0 s1  }
0x246: {  	[bflag:$0x3] =	sbarrier.arrive $0xFFFF  }
0x247: {  	_ =	shalt  }

</sc_bundles>
